<compile_context>
chip_gen: v7x
topology: tpu7x:2x2x1
jax: 0.10.2.dev20260603
libtpu: 0.0.44.dev20260713+nightly
codegen_flags: <defaults>
</compile_context>

<pallas_src>
import functools

import jax
import jax.numpy as jnp
from jax import lax
from jax.experimental import pallas as pl
from jax.experimental.pallas import tpu as pltpu
from jax.experimental.pallas import tpu_sc as plsc

N_HID = 60
N_SYM = 26
N_PAIR = N_SYM * N_SYM
TBL_PAD = 688
BATCH = 16384


def _table_body(a_ref, b_ref, emb_a_ref, emb_b_ref, wc_ref, bc_ref, wo_ref,
                bo_ref, out_ref, idx_ref):
    idx_ref[...] = a_ref[...] * N_SYM + b_ref[...]
    ea = jnp.maximum(emb_a_ref[...], 0.0)
    eb = jnp.maximum(emb_b_ref[...], 0.0)

    p_idx = lax.broadcasted_iota(jnp.int32, (TBL_PAD, N_SYM), 0) // N_SYM
    q_idx = lax.broadcasted_iota(jnp.int32, (TBL_PAD, N_SYM), 0) % N_SYM
    sym = lax.broadcasted_iota(jnp.int32, (TBL_PAD, N_SYM), 1)
    ph = jnp.where(p_idx == sym, 1.0, 0.0)
    qh = jnp.where(q_idx == sym, 1.0, 0.0)

    cat = jnp.concatenate(
        (jnp.dot(ph, ea, preferred_element_type=jnp.float32),
         jnp.dot(qh, eb, preferred_element_type=jnp.float32)),
        axis=1)
    h = lax.dot_general(cat, wc_ref[...], (((1,), (1,)), ((), ())),
                        preferred_element_type=jnp.float32)
    h = jnp.maximum(h + bc_ref[...], 0.0)
    t = lax.dot_general(wo_ref[...], h, (((1,), (1,)), ((), ())),
                        preferred_element_type=jnp.float32)
    out_ref[...] = (t + bo_ref[...]).reshape(TBL_PAD)


def _build_table(a, b, emb_a, emb_b, w_comp, b_comp, w_out, b_out):
    return pl.pallas_call(
        _table_body,
        out_shape=(jax.ShapeDtypeStruct((TBL_PAD,), jnp.float32),
                   jax.ShapeDtypeStruct((BATCH,), jnp.int32)),
    )(a, b, emb_a, emb_b, w_comp, b_comp, w_out, b_out)


_NCORES = 1
_NSUB = 16
_NW = _NCORES * _NSUB
_PER_W = BATCH // _NW
_LANES = 16


def _gather_body(tbl_hbm, idx_hbm, out_hbm, tbl_v, idx_v, out_v,
                 sem_t, sem_i):
    wid = lax.axis_index("s")
    base = wid * _PER_W
    ct = pltpu.async_copy(tbl_hbm, tbl_v, sem_t)
    ci = pltpu.async_copy(idx_hbm.at[pl.ds(base, _PER_W)], idx_v, sem_i)
    ct.wait()
    ci.wait()
    for i in range(_PER_W // _LANES):
        sl = pl.ds(i * _LANES, _LANES)
        out_v[sl] = plsc.load_gather(tbl_v, [idx_v[sl]])
    pltpu.sync_copy(out_v, out_hbm.at[pl.ds(base, _PER_W)])


@functools.lru_cache(maxsize=1)
def _make_gather():
    return pl.kernel(
        _gather_body,
        out_type=jax.ShapeDtypeStruct((BATCH,), jnp.float32),
        mesh=plsc.VectorSubcoreMesh(core_axis_name="c", subcore_axis_name="s",
                                    num_cores=_NCORES, num_subcores=_NSUB),
        compiler_params=pltpu.CompilerParams(needs_layout_passes=False),
        scratch_types=[
            pltpu.VMEM((TBL_PAD,), jnp.float32),
            pltpu.VMEM((_PER_W,), jnp.int32),
            pltpu.VMEM((_PER_W,), jnp.float32),
            pltpu.SemaphoreType.DMA,
            pltpu.SemaphoreType.DMA,
        ],
    )


@jax.jit
def kernel(a, b, emb_a, emb_b, W_comp, b_comp, W_out, b_out):
    table, idx = _build_table(a, b, emb_a, emb_b, W_comp,
                              b_comp.reshape(1, N_HID), W_out,
                              b_out.reshape(1, 1))
    out = _make_gather()(table, idx)
    return out.reshape(BATCH, 1)

# --- scband reference (transcript-rebuilt; emitter-appended) ---
"""Pipeline reference for scband-net-12721693130998 (READ-ONLY COPY).

The authoritative reference and input builder live on the scoring server;
editing this copy changes nothing except your own understanding.
"""

import jax, jax.numpy as jnp
import numpy as np

N_HID = 60
N_SYMBOL = 26
BATCH = 16384

def setup_inputs(seed: int = 0) -> dict:
    key = jax.random.key(seed)
    ka, kb, k1, k2, k3, k4, k5, k6 = jax.random.split(key, 8)
    a = jax.random.randint(ka, (BATCH,), 0, N_SYMBOL, dtype=jnp.int64 if jax.config.jax_enable_x64 else jnp.int32).astype(jnp.int32)
    b = jax.random.randint(kb, (BATCH,), 0, N_SYMBOL, dtype=jnp.int32)
    emb_a = jax.random.normal(k1, (N_SYMBOL, N_HID), dtype=jnp.float32)
    emb_b = jax.random.normal(k2, (N_SYMBOL, N_HID), dtype=jnp.float32)
    W_comp = jax.random.normal(k3, (N_HID, 2 * N_HID), dtype=jnp.float32) * (1.0 / np.sqrt(2 * N_HID))
    b_comp = jax.random.normal(k4, (N_HID,), dtype=jnp.float32) * 0.01
    W_out = jax.random.normal(k5, (1, N_HID), dtype=jnp.float32) * (1.0 / np.sqrt(N_HID))
    b_out = jax.random.normal(k6, (1,), dtype=jnp.float32) * 0.01
    return {"a": a, "b": b, "emb_a": emb_a, "emb_b": emb_b, "W_comp": W_comp, "b_comp": b_comp, "W_out": W_out, "b_out": b_out}

def reference(a, b, emb_a, emb_b, W_comp, b_comp, W_out, b_out):
    ea = jax.nn.relu(jnp.take(emb_a, a, axis=0))
    eb = jax.nn.relu(jnp.take(emb_b, b, axis=0))
    cat = jnp.concatenate((ea, eb), axis=1)
    h = jax.nn.relu(cat @ W_comp.T + b_comp)
    out = h @ W_out.T + b_out
    return out

if __name__ == "__main__":
    import jax
    _d = setup_inputs()
    print(jax.jit(kernel)(*tuple(_d.values())))

</pallas_src>

<mosaic_0001>
#map = affine_map<(d0, d1) -> (0)>
module attributes {stable_mosaic.version = 14 : i64} {
  func.func @_gather_body(%arg0: i32, %arg1: i32, %arg2: memref<688xf32, #tpu.memory_space<hbm>>, %arg3: memref<16384xi32, #tpu.memory_space<hbm>>, %arg4: memref<16384xf32, #tpu.memory_space<hbm>>, %arg5: memref<688xf32, #tpu.memory_space<vmem>>, %arg6: memref<1024xi32, #tpu.memory_space<vmem>>, %arg7: memref<1024xf32, #tpu.memory_space<vmem>>, %arg8: memref<!tpu.dma_semaphore, #tpu.memory_space<semaphore_mem>>, %arg9: memref<!tpu.dma_semaphore, #tpu.memory_space<semaphore_mem>>) attributes {dimension_semantics = [#tpu.dimension_semantics<core_parallel>, #tpu.dimension_semantics<subcore_parallel>], iteration_bounds = array<i64: 1, 16>, scalar_prefetch = 0 : i64, scratch_operands = 5 : i64, tpu.core_type = #tpu.core_type<sc_vector_subcore>, window_params = [{transform_indices = #map}, {transform_indices = #map}, {transform_indices = #map}]} {
    %mul3A = arith.constant 1024 : i32
    %mul3A_0 = arith.muli %arg1, %mul3A : i32
    tpu.enqueue_dma source(%arg2 : memref<688xf32, #tpu.memory_space<hbm>>) target(%arg5 : memref<688xf32, #tpu.memory_space<vmem>>) target_semaphore(%arg8 : memref<!tpu.dma_semaphore, #tpu.memory_space<semaphore_mem>>)
    %dma_start3A = tpu.memref_slice %arg3[%mul3A_0] : memref<16384xi32, #tpu.memory_space<hbm>> -> memref<1024xi32, #tpu.memory_space<hbm>>
    %dma_start3A_1 = tpu.memref_slice %arg3[%mul3A_0] : memref<16384xi32, #tpu.memory_space<hbm>> -> memref<1024xi32, #tpu.memory_space<hbm>>
    tpu.enqueue_dma source(%dma_start3A_1 : memref<1024xi32, #tpu.memory_space<hbm>>) target(%arg6 : memref<1024xi32, #tpu.memory_space<vmem>>) target_semaphore(%arg9 : memref<!tpu.dma_semaphore, #tpu.memory_space<semaphore_mem>>)
    tpu.wait_dma2 semaphore(%arg8 : memref<!tpu.dma_semaphore, #tpu.memory_space<semaphore_mem>>) src(%arg2 : memref<688xf32, #tpu.memory_space<hbm>>) dst(%arg5 : memref<688xf32, #tpu.memory_space<vmem>>)
    %dma_wait3A = tpu.memref_slice %arg3[%mul3A_0] : memref<16384xi32, #tpu.memory_space<hbm>> -> memref<1024xi32, #tpu.memory_space<hbm>>
    %dma_wait3A_2 = tpu.memref_slice %arg3[%mul3A_0] : memref<16384xi32, #tpu.memory_space<hbm>> -> memref<1024xi32, #tpu.memory_space<hbm>>
    tpu.wait_dma2 semaphore(%arg9 : memref<!tpu.dma_semaphore, #tpu.memory_space<semaphore_mem>>) src(%dma_wait3A_2 : memref<1024xi32, #tpu.memory_space<hbm>>) dst(%arg6 : memref<1024xi32, #tpu.memory_space<vmem>>)
    %get3A = arith.constant 0 : index
    %get3A_3 = tpu.vector_load %arg6[%get3A] {strides = array<i32>} : memref<1024xi32, #tpu.memory_space<vmem>>, vector<16xi32>,
    %gather3A = tpu.vector_load_idx %arg5[%get3A_3] : memref<688xf32, #tpu.memory_space<vmem>>[vector<16xi32>], vector<16xf32>,
    %swap3A = arith.constant 0 : index
    %swap3A_4 = tpu.vector_load %arg7[%swap3A] {strides = array<i32>} : memref<1024xf32, #tpu.memory_space<vmem>>, vector<16xf32>,
    tpu.vector_store %arg7[%swap3A], %gather3A {strides = array<i32>} : memref<1024xf32, #tpu.memory_space<vmem>>, vector<16xf32>,
    %get3A_5 = arith.constant 16 : index
    %get3A_6 = tpu.vector_load %arg6[%get3A_5] {strides = array<i32>} : memref<1024xi32, #tpu.memory_space<vmem>>, vector<16xi32>,
    %gather3A_7 = tpu.vector_load_idx %arg5[%get3A_6] : memref<688xf32, #tpu.memory_space<vmem>>[vector<16xi32>], vector<16xf32>,
    %swap3A_8 = arith.constant 16 : index
    %swap3A_9 = tpu.vector_load %arg7[%swap3A_8] {strides = array<i32>} : memref<1024xf32, #tpu.memory_space<vmem>>, vector<16xf32>,
    tpu.vector_store %arg7[%swap3A_8], %gather3A_7 {strides = array<i32>} : memref<1024xf32, #tpu.memory_space<vmem>>, vector<16xf32>,
    %get3A_10 = arith.constant 32 : index
    %get3A_11 = tpu.vector_load %arg6[%get3A_10] {strides = array<i32>} : memref<1024xi32, #tpu.memory_space<vmem>>, vector<16xi32>,
    %gather3A_12 = tpu.vector_load_idx %arg5[%get3A_11] : memref<688xf32, #tpu.memory_space<vmem>>[vector<16xi32>], vector<16xf32>,
    %swap3A_13 = arith.constant 32 : index
    %swap3A_14 = tpu.vector_load %arg7[%swap3A_13] {strides = array<i32>} : memref<1024xf32, #tpu.memory_space<vmem>>, vector<16xf32>,
    tpu.vector_store %arg7[%swap3A_13], %gather3A_12 {strides = array<i32>} : memref<1024xf32, #tpu.memory_space<vmem>>, vector<16xf32>,
    %get3A_15 = arith.constant 48 : index
    %get3A_16 = tpu.vector_load %arg6[%get3A_15] {strides = array<i32>} : memref<1024xi32, #tpu.memory_space<vmem>>, vector<16xi32>,
    %gather3A_17 = tpu.vector_load_idx %arg5[%get3A_16] : memref<688xf32, #tpu.memory_space<vmem>>[vector<16xi32>], vector<16xf32>,
    %swap3A_18 = arith.constant 48 : index
    %swap3A_19 = tpu.vector_load %arg7[%swap3A_18] {strides = array<i32>} : memref<1024xf32, #tpu.memory_space<vmem>>, vector<16xf32>,
    tpu.vector_store %arg7[%swap3A_18], %gather3A_17 {strides = array<i32>} : memref<1024xf32, #tpu.memory_space<vmem>>, vector<16xf32>,
    %get3A_20 = arith.constant 64 : index
    %get3A_21 = tpu.vector_load %arg6[%get3A_20] {strides = array<i32>} : memref<1024xi32, #tpu.memory_space<vmem>>, vector<16xi32>,
    %gather3A_22 = tpu.vector_load_idx %arg5[%get3A_21] : memref<688xf32, #tpu.memory_space<vmem>>[vector<16xi32>], vector<16xf32>,
    %swap3A_23 = arith.constant 64 : index
    %swap3A_24 = tpu.vector_load %arg7[%swap3A_23] {strides = array<i32>} : memref<1024xf32, #tpu.memory_space<vmem>>, vector<16xf32>,
    tpu.vector_store %arg7[%swap3A_23], %gather3A_22 {strides = array<i32>} : memref<1024xf32, #tpu.memory_space<vmem>>, vector<16xf32>,
    %get3A_25 = arith.constant 80 : index
    %get3A_26 = tpu.vector_load %arg6[%get3A_25] {strides = array<i32>} : memref<1024xi32, #tpu.memory_space<vmem>>, vector<16xi32>,
    %gather3A_27 = tpu.vector_load_idx %arg5[%get3A_26] : memref<688xf32, #tpu.memory_space<vmem>>[vector<16xi32>], vector<16xf32>,
    %swap3A_28 = arith.constant 80 : index
    %swap3A_29 = tpu.vector_load %arg7[%swap3A_28] {strides = array<i32>} : memref<1024xf32, #tpu.memory_space<vmem>>, vector<16xf32>,
    tpu.vector_store %arg7[%swap3A_28], %gather3A_27 {strides = array<i32>} : memref<1024xf32, #tpu.memory_space<vmem>>, vector<16xf32>,
    %get3A_30 = arith.constant 96 : index
    %get3A_31 = tpu.vector_load %arg6[%get3A_30] {strides = array<i32>} : memref<1024xi32, #tpu.memory_space<vmem>>, vector<16xi32>,
    %gather3A_32 = tpu.vector_load_idx %arg5[%get3A_31] : memref<688xf32, #tpu.memory_space<vmem>>[vector<16xi32>], vector<16xf32>,
    %swap3A_33 = arith.constant 96 : index
    %swap3A_34 = tpu.vector_load %arg7[%swap3A_33] {strides = array<i32>} : memref<1024xf32, #tpu.memory_space<vmem>>, vector<16xf32>,
    tpu.vector_store %arg7[%swap3A_33], %gather3A_32 {strides = array<i32>} : memref<1024xf32, #tpu.memory_space<vmem>>, vector<16xf32>,
    %get3A_35 = arith.constant 112 : index
    %get3A_36 = tpu.vector_load %arg6[%get3A_35] {strides = array<i32>} : memref<1024xi32, #tpu.memory_space<vmem>>, vector<16xi32>,
    %gather3A_37 = tpu.vector_load_idx %arg5[%get3A_36] : memref<688xf32, #tpu.memory_space<vmem>>[vector<16xi32>], vector<16xf32>,
    %swap3A_38 = arith.constant 112 : index
    %swap3A_39 = tpu.vector_load %arg7[%swap3A_38] {strides = array<i32>} : memref<1024xf32, #tpu.memory_space<vmem>>, vector<16xf32>,
    tpu.vector_store %arg7[%swap3A_38], %gather3A_37 {strides = array<i32>} : memref<1024xf32, #tpu.memory_space<vmem>>, vector<16xf32>,
    %get3A_40 = arith.constant 128 : index
    %get3A_41 = tpu.vector_load %arg6[%get3A_40] {strides = array<i32>} : memref<1024xi32, #tpu.memory_space<vmem>>, vector<16xi32>,
    %gather3A_42 = tpu.vector_load_idx %arg5[%get3A_41] : memref<688xf32, #tpu.memory_space<vmem>>[vector<16xi32>], vector<16xf32>,
    %swap3A_43 = arith.constant 128 : index
    %swap3A_44 = tpu.vector_load %arg7[%swap3A_43] {strides = array<i32>} : memref<1024xf32, #tpu.memory_space<vmem>>, vector<16xf32>,
    tpu.vector_store %arg7[%swap3A_43], %gather3A_42 {strides = array<i32>} : memref<1024xf32, #tpu.memory_space<vmem>>, vector<16xf32>,
    %get3A_45 = arith.constant 144 : index
    %get3A_46 = tpu.vector_load %arg6[%get3A_45] {strides = array<i32>} : memref<1024xi32, #tpu.memory_space<vmem>>, vector<16xi32>,
    %gather3A_47 = tpu.vector_load_idx %arg5[%get3A_46] : memref<688xf32, #tpu.memory_space<vmem>>[vector<16xi32>], vector<16xf32>,
    %swap3A_48 = arith.constant 144 : index
    %swap3A_49 = tpu.vector_load %arg7[%swap3A_48] {strides = array<i32>} : memref<1024xf32, #tpu.memory_space<vmem>>, vector<16xf32>,
    tpu.vector_store %arg7[%swap3A_48], %gather3A_47 {strides = array<i32>} : memref<1024xf32, #tpu.memory_space<vmem>>, vector<16xf32>,
    %get3A_50 = arith.constant 160 : index
    %get3A_51 = tpu.vector_load %arg6[%get3A_50] {strides = array<i32>} : memref<1024xi32, #tpu.memory_space<vmem>>, vector<16xi32>,
    %gather3A_52 = tpu.vector_load_idx %arg5[%get3A_51] : memref<688xf32, #tpu.memory_space<vmem>>[vector<16xi32>], vector<16xf32>,
    %swap3A_53 = arith.constant 160 : index
    %swap3A_54 = tpu.vector_load %arg7[%swap3A_53] {strides = array<i32>} : memref<1024xf32, #tpu.memory_space<vmem>>, vector<16xf32>,
    tpu.vector_store %arg7[%swap3A_53], %gather3A_52 {strides = array<i32>} : memref<1024xf32, #tpu.memory_space<vmem>>, vector<16xf32>,
    %get3A_55 = arith.constant 176 : index
    %get3A_56 = tpu.vector_load %arg6[%get3A_55] {strides = array<i32>} : memref<1024xi32, #tpu.memory_space<vmem>>, vector<16xi32>,
    %gather3A_57 = tpu.vector_load_idx %arg5[%get3A_56] : memref<688xf32, #tpu.memory_space<vmem>>[vector<16xi32>], vector<16xf32>,
    %swap3A_58 = arith.constant 176 : index
    %swap3A_59 = tpu.vector_load %arg7[%swap3A_58] {strides = array<i32>} : memref<1024xf32, #tpu.memory_space<vmem>>, vector<16xf32>,
    tpu.vector_store %arg7[%swap3A_58], %gather3A_57 {strides = array<i32>} : memref<1024xf32, #tpu.memory_space<vmem>>, vector<16xf32>,
    %get3A_60 = arith.constant 192 : index
    %get3A_61 = tpu.vector_load %arg6[%get3A_60] {strides = array<i32>} : memref<1024xi32, #tpu.memory_space<vmem>>, vector<16xi32>,
    %gather3A_62 = tpu.vector_load_idx %arg5[%get3A_61] : memref<688xf32, #tpu.memory_space<vmem>>[vector<16xi32>], vector<16xf32>,
    %swap3A_63 = arith.constant 192 : index
    %swap3A_64 = tpu.vector_load %arg7[%swap3A_63] {strides = array<i32>} : memref<1024xf32, #tpu.memory_space<vmem>>, vector<16xf32>,
    tpu.vector_store %arg7[%swap3A_63], %gather3A_62 {strides = array<i32>} : memref<1024xf32, #tpu.memory_space<vmem>>, vector<16xf32>,
    %get3A_65 = arith.constant 208 : index
    %get3A_66 = tpu.vector_load %arg6[%get3A_65] {strides = array<i32>} : memref<1024xi32, #tpu.memory_space<vmem>>, vector<16xi32>,
    %gather3A_67 = tpu.vector_load_idx %arg5[%get3A_66] : memref<688xf32, #tpu.memory_space<vmem>>[vector<16xi32>], vector<16xf32>,
    %swap3A_68 = arith.constant 208 : index
    %swap3A_69 = tpu.vector_load %arg7[%swap3A_68] {strides = array<i32>} : memref<1024xf32, #tpu.memory_space<vmem>>, vector<16xf32>,
    tpu.vector_store %arg7[%swap3A_68], %gather3A_67 {strides = array<i32>} : memref<1024xf32, #tpu.memory_space<vmem>>, vector<16xf32>,
    %get3A_70 = arith.constant 224 : index
    %get3A_71 = tpu.vector_load %arg6[%get3A_70] {strides = array<i32>} : memref<1024xi32, #tpu.memory_space<vmem>>, vector<16xi32>,
    %gather3A_72 = tpu.vector_load_idx %arg5[%get3A_71] : memref<688xf32, #tpu.memory_space<vmem>>[vector<16xi32>], vector<16xf32>,
    %swap3A_73 = arith.constant 224 : index
    %swap3A_74 = tpu.vector_load %arg7[%swap3A_73] {strides = array<i32>} : memref<1024xf32, #tpu.memory_space<vmem>>, vector<16xf32>,
    tpu.vector_store %arg7[%swap3A_73], %gather3A_72 {strides = array<i32>} : memref<1024xf32, #tpu.memory_space<vmem>>, vector<16xf32>,
    %get3A_75 = arith.constant 240 : index
    %get3A_76 = tpu.vector_load %arg6[%get3A_75] {strides = array<i32>} : memref<1024xi32, #tpu.memory_space<vmem>>, vector<16xi32>,
    %gather3A_77 = tpu.vector_load_idx %arg5[%get3A_76] : memref<688xf32, #tpu.memory_space<vmem>>[vector<16xi32>], vector<16xf32>,
    %swap3A_78 = arith.constant 240 : index
    %swap3A_79 = tpu.vector_load %arg7[%swap3A_78] {strides = array<i32>} : memref<1024xf32, #tpu.memory_space<vmem>>, vector<16xf32>,
    tpu.vector_store %arg7[%swap3A_78], %gather3A_77 {strides = array<i32>} : memref<1024xf32, #tpu.memory_space<vmem>>, vector<16xf32>,
    %get3A_80 = arith.constant 256 : index
    %get3A_81 = tpu.vector_load %arg6[%get3A_80] {strides = array<i32>} : memref<1024xi32, #tpu.memory_space<vmem>>, vector<16xi32>,
    %gather3A_82 = tpu.vector_load_idx %arg5[%get3A_81] : memref<688xf32, #tpu.memory_space<vmem>>[vector<16xi32>], vector<16xf32>,
    %swap3A_83 = arith.constant 256 : index
    %swap3A_84 = tpu.vector_load %arg7[%swap3A_83] {strides = array<i32>} : memref<1024xf32, #tpu.memory_space<vmem>>, vector<16xf32>,
    tpu.vector_store %arg7[%swap3A_83], %gather3A_82 {strides = array<i32>} : memref<1024xf32, #tpu.memory_space<vmem>>, vector<16xf32>,
    %get3A_85 = arith.constant 272 : index
    %get3A_86 = tpu.vector_load %arg6[%get3A_85] {strides = array<i32>} : memref<1024xi32, #tpu.memory_space<vmem>>, vector<16xi32>,
    %gather3A_87 = tpu.vector_load_idx %arg5[%get3A_86] : memref<688xf32, #tpu.memory_space<vmem>>[vector<16xi32>], vector<16xf32>,
    %swap3A_88 = arith.constant 272 : index
    %swap3A_89 = tpu.vector_load %arg7[%swap3A_88] {strides = array<i32>} : memref<1024xf32, #tpu.memory_space<vmem>>, vector<16xf32>,
    tpu.vector_store %arg7[%swap3A_88], %gather3A_87 {strides = array<i32>} : memref<1024xf32, #tpu.memory_space<vmem>>, vector<16xf32>,
    %get3A_90 = arith.constant 288 : index
    %get3A_91 = tpu.vector_load %arg6[%get3A_90] {strides = array<i32>} : memref<1024xi32, #tpu.memory_space<vmem>>, vector<16xi32>,
    %gather3A_92 = tpu.vector_load_idx %arg5[%get3A_91] : memref<688xf32, #tpu.memory_space<vmem>>[vector<16xi32>], vector<16xf32>,
    %swap3A_93 = arith.constant 288 : index
    %swap3A_94 = tpu.vector_load %arg7[%swap3A_93] {strides = array<i32>} : memref<1024xf32, #tpu.memory_space<vmem>>, vector<16xf32>,
    tpu.vector_store %arg7[%swap3A_93], %gather3A_92 {strides = array<i32>} : memref<1024xf32, #tpu.memory_space<vmem>>, vector<16xf32>,
    %get3A_95 = arith.constant 304 : index
    %get3A_96 = tpu.vector_load %arg6[%get3A_95] {strides = array<i32>} : memref<1024xi32, #tpu.memory_space<vmem>>, vector<16xi32>,
    %gather3A_97 = tpu.vector_load_idx %arg5[%get3A_96] : memref<688xf32, #tpu.memory_space<vmem>>[vector<16xi32>], vector<16xf32>,
    %swap3A_98 = arith.constant 304 : index
    %swap3A_99 = tpu.vector_load %arg7[%swap3A_98] {strides = array<i32>} : memref<1024xf32, #tpu.memory_space<vmem>>, vector<16xf32>,
    tpu.vector_store %arg7[%swap3A_98], %gather3A_97 {strides = array<i32>} : memref<1024xf32, #tpu.memory_space<vmem>>, vector<16xf32>,
    %get3A_100 = arith.constant 320 : index
    %get3A_101 = tpu.vector_load %arg6[%get3A_100] {strides = array<i32>} : memref<1024xi32, #tpu.memory_space<vmem>>, vector<16xi32>,
    %gather3A_102 = tpu.vector_load_idx %arg5[%get3A_101] : memref<688xf32, #tpu.memory_space<vmem>>[vector<16xi32>], vector<16xf32>,
    %swap3A_103 = arith.constant 320 : index
    %swap3A_104 = tpu.vector_load %arg7[%swap3A_103] {strides = array<i32>} : memref<1024xf32, #tpu.memory_space<vmem>>, vector<16xf32>,
    tpu.vector_store %arg7[%swap3A_103], %gather3A_102 {strides = array<i32>} : memref<1024xf32, #tpu.memory_space<vmem>>, vector<16xf32>,
    %get3A_105 = arith.constant 336 : index
    %get3A_106 = tpu.vector_load %arg6[%get3A_105] {strides = array<i32>} : memref<1024xi32, #tpu.memory_space<vmem>>, vector<16xi32>,
    %gather3A_107 = tpu.vector_load_idx %arg5[%get3A_106] : memref<688xf32, #tpu.memory_space<vmem>>[vector<16xi32>], vector<16xf32>,
    %swap3A_108 = arith.constant 336 : index
    %swap3A_109 = tpu.vector_load %arg7[%swap3A_108] {strides = array<i32>} : memref<1024xf32, #tpu.memory_space<vmem>>, vector<16xf32>,
    tpu.vector_store %arg7[%swap3A_108], %gather3A_107 {strides = array<i32>} : memref<1024xf32, #tpu.memory_space<vmem>>, vector<16xf32>,
    %get3A_110 = arith.constant 352 : index
    %get3A_111 = tpu.vector_load %arg6[%get3A_110] {strides = array<i32>} : memref<1024xi32, #tpu.memory_space<vmem>>, vector<16xi32>,
    %gather3A_112 = tpu.vector_load_idx %arg5[%get3A_111] : memref<688xf32, #tpu.memory_space<vmem>>[vector<16xi32>], vector<16xf32>,
    %swap3A_113 = arith.constant 352 : index
    %swap3A_114 = tpu.vector_load %arg7[%swap3A_113] {strides = array<i32>} : memref<1024xf32, #tpu.memory_space<vmem>>, vector<16xf32>,
    tpu.vector_store %arg7[%swap3A_113], %gather3A_112 {strides = array<i32>} : memref<1024xf32, #tpu.memory_space<vmem>>, vector<16xf32>,
    %get3A_115 = arith.constant 368 : index
    %get3A_116 = tpu.vector_load %arg6[%get3A_115] {strides = array<i32>} : memref<1024xi32, #tpu.memory_space<vmem>>, vector<16xi32>,
    %gather3A_117 = tpu.vector_load_idx %arg5[%get3A_116] : memref<688xf32, #tpu.memory_space<vmem>>[vector<16xi32>], vector<16xf32>,
    %swap3A_118 = arith.constant 368 : index
    %swap3A_119 = tpu.vector_load %arg7[%swap3A_118] {strides = array<i32>} : memref<1024xf32, #tpu.memory_space<vmem>>, vector<16xf32>,
    tpu.vector_store %arg7[%swap3A_118], %gather3A_117 {strides = array<i32>} : memref<1024xf32, #tpu.memory_space<vmem>>, vector<16xf32>,
    %get3A_120 = arith.constant 384 : index
    %get3A_121 = tpu.vector_load %arg6[%get3A_120] {strides = array<i32>} : memref<1024xi32, #tpu.memory_space<vmem>>, vector<16xi32>,
    %gather3A_122 = tpu.vector_load_idx %arg5[%get3A_121] : memref<688xf32, #tpu.memory_space<vmem>>[vector<16xi32>], vector<16xf32>,
    %swap3A_123 = arith.constant 384 : index
    %swap3A_124 = tpu.vector_load %arg7[%swap3A_123] {strides = array<i32>} : memref<1024xf32, #tpu.memory_space<vmem>>, vector<16xf32>,
    tpu.vector_store %arg7[%swap3A_123], %gather3A_122 {strides = array<i32>} : memref<1024xf32, #tpu.memory_space<vmem>>, vector<16xf32>,
    %get3A_125 = arith.constant 400 : index
    %get3A_126 = tpu.vector_load %arg6[%get3A_125] {strides = array<i32>} : memref<1024xi32, #tpu.memory_space<vmem>>, vector<16xi32>,
    %gather3A_127 = tpu.vector_load_idx %arg5[%get3A_126] : memref<688xf32, #tpu.memory_space<vmem>>[vector<16xi32>], vector<16xf32>,
    %swap3A_128 = arith.constant 400 : index
    %swap3A_129 = tpu.vector_load %arg7[%swap3A_128] {strides = array<i32>} : memref<1024xf32, #tpu.memory_space<vmem>>, vector<16xf32>,
    tpu.vector_store %arg7[%swap3A_128], %gather3A_127 {strides = array<i32>} : memref<1024xf32, #tpu.memory_space<vmem>>, vector<16xf32>,
    %get3A_130 = arith.constant 416 : index
    %get3A_131 = tpu.vector_load %arg6[%get3A_130] {strides = array<i32>} : memref<1024xi32, #tpu.memory_space<vmem>>, vector<16xi32>,
    %gather3A_132 = tpu.vector_load_idx %arg5[%get3A_131] : memref<688xf32, #tpu.memory_space<vmem>>[vector<16xi32>], vector<16xf32>,
    %swap3A_133 = arith.constant 416 : index
    %swap3A_134 = tpu.vector_load %arg7[%swap3A_133] {strides = array<i32>} : memref<1024xf32, #tpu.memory_space<vmem>>, vector<16xf32>,
    tpu.vector_store %arg7[%swap3A_133], %gather3A_132 {strides = array<i32>} : memref<1024xf32, #tpu.memory_space<vmem>>, vector<16xf32>,
    %get3A_135 = arith.constant 432 : index
    %get3A_136 = tpu.vector_load %arg6[%get3A_135] {strides = array<i32>} : memref<1024xi32, #tpu.memory_space<vmem>>, vector<16xi32>,
    %gather3A_137 = tpu.vector_load_idx %arg5[%get3A_136] : memref<688xf32, #tpu.memory_space<vmem>>[vector<16xi32>], vector<16xf32>,
    %swap3A_138 = arith.constant 432 : index
    %swap3A_139 = tpu.vector_load %arg7[%swap3A_138] {strides = array<i32>} : memref<1024xf32, #tpu.memory_space<vmem>>, vector<16xf32>,
    tpu.vector_store %arg7[%swap3A_138], %gather3A_137 {strides = array<i32>} : memref<1024xf32, #tpu.memory_space<vmem>>, vector<16xf32>,
    %get3A_140 = arith.constant 448 : index
    %get3A_141 = tpu.vector_load %arg6[%get3A_140] {strides = array<i32>} : memref<1024xi32, #tpu.memory_space<vmem>>, vector<16xi32>,
    %gather3A_142 = tpu.vector_load_idx %arg5[%get3A_141] : memref<688xf32, #tpu.memory_space<vmem>>[vector<16xi32>], vector<16xf32>,
    %swap3A_143 = arith.constant 448 : index
    %swap3A_144 = tpu.vector_load %arg7[%swap3A_143] {strides = array<i32>} : memref<1024xf32, #tpu.memory_space<vmem>>, vector<16xf32>,
    tpu.vector_store %arg7[%swap3A_143], %gather3A_142 {strides = array<i32>} : memref<1024xf32, #tpu.memory_space<vmem>>, vector<16xf32>,
    %get3A_145 = arith.constant 464 : index
    %get3A_146 = tpu.vector_load %arg6[%get3A_145] {strides = array<i32>} : memref<1024xi32, #tpu.memory_space<vmem>>, vector<16xi32>,
    %gather3A_147 = tpu.vector_load_idx %arg5[%get3A_146] : memref<688xf32, #tpu.memory_space<vmem>>[vector<16xi32>], vector<16xf32>,
    %swap3A_148 = arith.constant 464 : index
    %swap3A_149 = tpu.vector_load %arg7[%swap3A_148] {strides = array<i32>} : memref<1024xf32, #tpu.memory_space<vmem>>, vector<16xf32>,
    tpu.vector_store %arg7[%swap3A_148], %gather3A_147 {strides = array<i32>} : memref<1024xf32, #tpu.memory_space<vmem>>, vector<16xf32>,
    %get3A_150 = arith.constant 480 : index
    %get3A_151 = tpu.vector_load %arg6[%get3A_150] {strides = array<i32>} : memref<1024xi32, #tpu.memory_space<vmem>>, vector<16xi32>,
    %gather3A_152 = tpu.vector_load_idx %arg5[%get3A_151] : memref<688xf32, #tpu.memory_space<vmem>>[vector<16xi32>], vector<16xf32>,
    %swap3A_153 = arith.constant 480 : index
    %swap3A_154 = tpu.vector_load %arg7[%swap3A_153] {strides = array<i32>} : memref<1024xf32, #tpu.memory_space<vmem>>, vector<16xf32>,
    tpu.vector_store %arg7[%swap3A_153], %gather3A_152 {strides = array<i32>} : memref<1024xf32, #tpu.memory_space<vmem>>, vector<16xf32>,
    %get3A_155 = arith.constant 496 : index
    %get3A_156 = tpu.vector_load %arg6[%get3A_155] {strides = array<i32>} : memref<1024xi32, #tpu.memory_space<vmem>>, vector<16xi32>,
    %gather3A_157 = tpu.vector_load_idx %arg5[%get3A_156] : memref<688xf32, #tpu.memory_space<vmem>>[vector<16xi32>], vector<16xf32>,
    %swap3A_158 = arith.constant 496 : index
    %swap3A_159 = tpu.vector_load %arg7[%swap3A_158] {strides = array<i32>} : memref<1024xf32, #tpu.memory_space<vmem>>, vector<16xf32>,
    tpu.vector_store %arg7[%swap3A_158], %gather3A_157 {strides = array<i32>} : memref<1024xf32, #tpu.memory_space<vmem>>, vector<16xf32>,
    %get3A_160 = arith.constant 512 : index
    %get3A_161 = tpu.vector_load %arg6[%get3A_160] {strides = array<i32>} : memref<1024xi32, #tpu.memory_space<vmem>>, vector<16xi32>,
    %gather3A_162 = tpu.vector_load_idx %arg5[%get3A_161] : memref<688xf32, #tpu.memory_space<vmem>>[vector<16xi32>], vector<16xf32>,
    %swap3A_163 = arith.constant 512 : index
    %swap3A_164 = tpu.vector_load %arg7[%swap3A_163] {strides = array<i32>} : memref<1024xf32, #tpu.memory_space<vmem>>, vector<16xf32>,
    tpu.vector_store %arg7[%swap3A_163], %gather3A_162 {strides = array<i32>} : memref<1024xf32, #tpu.memory_space<vmem>>, vector<16xf32>,
    %get3A_165 = arith.constant 528 : index
    %get3A_166 = tpu.vector_load %arg6[%get3A_165] {strides = array<i32>} : memref<1024xi32, #tpu.memory_space<vmem>>, vector<16xi32>,
    %gather3A_167 = tpu.vector_load_idx %arg5[%get3A_166] : memref<688xf32, #tpu.memory_space<vmem>>[vector<16xi32>], vector<16xf32>,
    %swap3A_168 = arith.constant 528 : index
    %swap3A_169 = tpu.vector_load %arg7[%swap3A_168] {strides = array<i32>} : memref<1024xf32, #tpu.memory_space<vmem>>, vector<16xf32>,
    tpu.vector_store %arg7[%swap3A_168], %gather3A_167 {strides = array<i32>} : memref<1024xf32, #tpu.memory_space<vmem>>, vector<16xf32>,
    %get3A_170 = arith.constant 544 : index
    %get3A_171 = tpu.vector_load %arg6[%get3A_170] {strides = array<i32>} : memref<1024xi32, #tpu.memory_space<vmem>>, vector<16xi32>,
    %gather3A_172 = tpu.vector_load_idx %arg5[%get3A_171] : memref<688xf32, #tpu.memory_space<vmem>>[vector<16xi32>], vector<16xf32>,
    %swap3A_173 = arith.constant 544 : index
    %swap3A_174 = tpu.vector_load %arg7[%swap3A_173] {strides = array<i32>} : memref<1024xf32, #tpu.memory_space<vmem>>, vector<16xf32>,
    tpu.vector_store %arg7[%swap3A_173], %gather3A_172 {strides = array<i32>} : memref<1024xf32, #tpu.memory_space<vmem>>, vector<16xf32>,
    %get3A_175 = arith.constant 560 : index
    %get3A_176 = tpu.vector_load %arg6[%get3A_175] {strides = array<i32>} : memref<1024xi32, #tpu.memory_space<vmem>>, vector<16xi32>,
    %gather3A_177 = tpu.vector_load_idx %arg5[%get3A_176] : memref<688xf32, #tpu.memory_space<vmem>>[vector<16xi32>], vector<16xf32>,
    %swap3A_178 = arith.constant 560 : index
    %swap3A_179 = tpu.vector_load %arg7[%swap3A_178] {strides = array<i32>} : memref<1024xf32, #tpu.memory_space<vmem>>, vector<16xf32>,
    tpu.vector_store %arg7[%swap3A_178], %gather3A_177 {strides = array<i32>} : memref<1024xf32, #tpu.memory_space<vmem>>, vector<16xf32>,
    %get3A_180 = arith.constant 576 : index
    %get3A_181 = tpu.vector_load %arg6[%get3A_180] {strides = array<i32>} : memref<1024xi32, #tpu.memory_space<vmem>>, vector<16xi32>,
    %gather3A_182 = tpu.vector_load_idx %arg5[%get3A_181] : memref<688xf32, #tpu.memory_space<vmem>>[vector<16xi32>], vector<16xf32>,
    %swap3A_183 = arith.constant 576 : index
    %swap3A_184 = tpu.vector_load %arg7[%swap3A_183] {strides = array<i32>} : memref<1024xf32, #tpu.memory_space<vmem>>, vector<16xf32>,
    tpu.vector_store %arg7[%swap3A_183], %gather3A_182 {strides = array<i32>} : memref<1024xf32, #tpu.memory_space<vmem>>, vector<16xf32>,
    %get3A_185 = arith.constant 592 : index
    %get3A_186 = tpu.vector_load %arg6[%get3A_185] {strides = array<i32>} : memref<1024xi32, #tpu.memory_space<vmem>>, vector<16xi32>,
    %gather3A_187 = tpu.vector_load_idx %arg5[%get3A_186] : memref<688xf32, #tpu.memory_space<vmem>>[vector<16xi32>], vector<16xf32>,
    %swap3A_188 = arith.constant 592 : index
    %swap3A_189 = tpu.vector_load %arg7[%swap3A_188] {strides = array<i32>} : memref<1024xf32, #tpu.memory_space<vmem>>, vector<16xf32>,
    tpu.vector_store %arg7[%swap3A_188], %gather3A_187 {strides = array<i32>} : memref<1024xf32, #tpu.memory_space<vmem>>, vector<16xf32>,
    %get3A_190 = arith.constant 608 : index
    %get3A_191 = tpu.vector_load %arg6[%get3A_190] {strides = array<i32>} : memref<1024xi32, #tpu.memory_space<vmem>>, vector<16xi32>,
    %gather3A_192 = tpu.vector_load_idx %arg5[%get3A_191] : memref<688xf32, #tpu.memory_space<vmem>>[vector<16xi32>], vector<16xf32>,
    %swap3A_193 = arith.constant 608 : index
    %swap3A_194 = tpu.vector_load %arg7[%swap3A_193] {strides = array<i32>} : memref<1024xf32, #tpu.memory_space<vmem>>, vector<16xf32>,
    tpu.vector_store %arg7[%swap3A_193], %gather3A_192 {strides = array<i32>} : memref<1024xf32, #tpu.memory_space<vmem>>, vector<16xf32>,
    %get3A_195 = arith.constant 624 : index
    %get3A_196 = tpu.vector_load %arg6[%get3A_195] {strides = array<i32>} : memref<1024xi32, #tpu.memory_space<vmem>>, vector<16xi32>,
    %gather3A_197 = tpu.vector_load_idx %arg5[%get3A_196] : memref<688xf32, #tpu.memory_space<vmem>>[vector<16xi32>], vector<16xf32>,
    %swap3A_198 = arith.constant 624 : index
    %swap3A_199 = tpu.vector_load %arg7[%swap3A_198] {strides = array<i32>} : memref<1024xf32, #tpu.memory_space<vmem>>, vector<16xf32>,
    tpu.vector_store %arg7[%swap3A_198], %gather3A_197 {strides = array<i32>} : memref<1024xf32, #tpu.memory_space<vmem>>, vector<16xf32>,
    %get3A_200 = arith.constant 640 : index
    %get3A_201 = tpu.vector_load %arg6[%get3A_200] {strides = array<i32>} : memref<1024xi32, #tpu.memory_space<vmem>>, vector<16xi32>,
    %gather3A_202 = tpu.vector_load_idx %arg5[%get3A_201] : memref<688xf32, #tpu.memory_space<vmem>>[vector<16xi32>], vector<16xf32>,
    %swap3A_203 = arith.constant 640 : index
    %swap3A_204 = tpu.vector_load %arg7[%swap3A_203] {strides = array<i32>} : memref<1024xf32, #tpu.memory_space<vmem>>, vector<16xf32>,
    tpu.vector_store %arg7[%swap3A_203], %gather3A_202 {strides = array<i32>} : memref<1024xf32, #tpu.memory_space<vmem>>, vector<16xf32>,
    %get3A_205 = arith.constant 656 : index
    %get3A_206 = tpu.vector_load %arg6[%get3A_205] {strides = array<i32>} : memref<1024xi32, #tpu.memory_space<vmem>>, vector<16xi32>,
    %gather3A_207 = tpu.vector_load_idx %arg5[%get3A_206] : memref<688xf32, #tpu.memory_space<vmem>>[vector<16xi32>], vector<16xf32>,
    %swap3A_208 = arith.constant 656 : index
    %swap3A_209 = tpu.vector_load %arg7[%swap3A_208] {strides = array<i32>} : memref<1024xf32, #tpu.memory_space<vmem>>, vector<16xf32>,
    tpu.vector_store %arg7[%swap3A_208], %gather3A_207 {strides = array<i32>} : memref<1024xf32, #tpu.memory_space<vmem>>, vector<16xf32>,
    %get3A_210 = arith.constant 672 : index
    %get3A_211 = tpu.vector_load %arg6[%get3A_210] {strides = array<i32>} : memref<1024xi32, #tpu.memory_space<vmem>>, vector<16xi32>,
    %gather3A_212 = tpu.vector_load_idx %arg5[%get3A_211] : memref<688xf32, #tpu.memory_space<vmem>>[vector<16xi32>], vector<16xf32>,
    %swap3A_213 = arith.constant 672 : index
    %swap3A_214 = tpu.vector_load %arg7[%swap3A_213] {strides = array<i32>} : memref<1024xf32, #tpu.memory_space<vmem>>, vector<16xf32>,
    tpu.vector_store %arg7[%swap3A_213], %gather3A_212 {strides = array<i32>} : memref<1024xf32, #tpu.memory_space<vmem>>, vector<16xf32>,
    %get3A_215 = arith.constant 688 : index
    %get3A_216 = tpu.vector_load %arg6[%get3A_215] {strides = array<i32>} : memref<1024xi32, #tpu.memory_space<vmem>>, vector<16xi32>,
    %gather3A_217 = tpu.vector_load_idx %arg5[%get3A_216] : memref<688xf32, #tpu.memory_space<vmem>>[vector<16xi32>], vector<16xf32>,
    %swap3A_218 = arith.constant 688 : index
    %swap3A_219 = tpu.vector_load %arg7[%swap3A_218] {strides = array<i32>} : memref<1024xf32, #tpu.memory_space<vmem>>, vector<16xf32>,
    tpu.vector_store %arg7[%swap3A_218], %gather3A_217 {strides = array<i32>} : memref<1024xf32, #tpu.memory_space<vmem>>, vector<16xf32>,
    %get3A_220 = arith.constant 704 : index
    %get3A_221 = tpu.vector_load %arg6[%get3A_220] {strides = array<i32>} : memref<1024xi32, #tpu.memory_space<vmem>>, vector<16xi32>,
    %gather3A_222 = tpu.vector_load_idx %arg5[%get3A_221] : memref<688xf32, #tpu.memory_space<vmem>>[vector<16xi32>], vector<16xf32>,
    %swap3A_223 = arith.constant 704 : index
    %swap3A_224 = tpu.vector_load %arg7[%swap3A_223] {strides = array<i32>} : memref<1024xf32, #tpu.memory_space<vmem>>, vector<16xf32>,
    tpu.vector_store %arg7[%swap3A_223], %gather3A_222 {strides = array<i32>} : memref<1024xf32, #tpu.memory_space<vmem>>, vector<16xf32>,
    %get3A_225 = arith.constant 720 : index
    %get3A_226 = tpu.vector_load %arg6[%get3A_225] {strides = array<i32>} : memref<1024xi32, #tpu.memory_space<vmem>>, vector<16xi32>,
    %gather3A_227 = tpu.vector_load_idx %arg5[%get3A_226] : memref<688xf32, #tpu.memory_space<vmem>>[vector<16xi32>], vector<16xf32>,
    %swap3A_228 = arith.constant 720 : index
    %swap3A_229 = tpu.vector_load %arg7[%swap3A_228] {strides = array<i32>} : memref<1024xf32, #tpu.memory_space<vmem>>, vector<16xf32>,
    tpu.vector_store %arg7[%swap3A_228], %gather3A_227 {strides = array<i32>} : memref<1024xf32, #tpu.memory_space<vmem>>, vector<16xf32>,
    %get3A_230 = arith.constant 736 : index
    %get3A_231 = tpu.vector_load %arg6[%get3A_230] {strides = array<i32>} : memref<1024xi32, #tpu.memory_space<vmem>>, vector<16xi32>,
    %gather3A_232 = tpu.vector_load_idx %arg5[%get3A_231] : memref<688xf32, #tpu.memory_space<vmem>>[vector<16xi32>], vector<16xf32>,
    %swap3A_233 = arith.constant 736 : index
    %swap3A_234 = tpu.vector_load %arg7[%swap3A_233] {strides = array<i32>} : memref<1024xf32, #tpu.memory_space<vmem>>, vector<16xf32>,
    tpu.vector_store %arg7[%swap3A_233], %gather3A_232 {strides = array<i32>} : memref<1024xf32, #tpu.memory_space<vmem>>, vector<16xf32>,
    %get3A_235 = arith.constant 752 : index
    %get3A_236 = tpu.vector_load %arg6[%get3A_235] {strides = array<i32>} : memref<1024xi32, #tpu.memory_space<vmem>>, vector<16xi32>,
    %gather3A_237 = tpu.vector_load_idx %arg5[%get3A_236] : memref<688xf32, #tpu.memory_space<vmem>>[vector<16xi32>], vector<16xf32>,
    %swap3A_238 = arith.constant 752 : index
    %swap3A_239 = tpu.vector_load %arg7[%swap3A_238] {strides = array<i32>} : memref<1024xf32, #tpu.memory_space<vmem>>, vector<16xf32>,
    tpu.vector_store %arg7[%swap3A_238], %gather3A_237 {strides = array<i32>} : memref<1024xf32, #tpu.memory_space<vmem>>, vector<16xf32>,
    %get3A_240 = arith.constant 768 : index
    %get3A_241 = tpu.vector_load %arg6[%get3A_240] {strides = array<i32>} : memref<1024xi32, #tpu.memory_space<vmem>>, vector<16xi32>,
    %gather3A_242 = tpu.vector_load_idx %arg5[%get3A_241] : memref<688xf32, #tpu.memory_space<vmem>>[vector<16xi32>], vector<16xf32>,
    %swap3A_243 = arith.constant 768 : index
    %swap3A_244 = tpu.vector_load %arg7[%swap3A_243] {strides = array<i32>} : memref<1024xf32, #tpu.memory_space<vmem>>, vector<16xf32>,
    tpu.vector_store %arg7[%swap3A_243], %gather3A_242 {strides = array<i32>} : memref<1024xf32, #tpu.memory_space<vmem>>, vector<16xf32>,
    %get3A_245 = arith.constant 784 : index
    %get3A_246 = tpu.vector_load %arg6[%get3A_245] {strides = array<i32>} : memref<1024xi32, #tpu.memory_space<vmem>>, vector<16xi32>,
    %gather3A_247 = tpu.vector_load_idx %arg5[%get3A_246] : memref<688xf32, #tpu.memory_space<vmem>>[vector<16xi32>], vector<16xf32>,
    %swap3A_248 = arith.constant 784 : index
    %swap3A_249 = tpu.vector_load %arg7[%swap3A_248] {strides = array<i32>} : memref<1024xf32, #tpu.memory_space<vmem>>, vector<16xf32>,
    tpu.vector_store %arg7[%swap3A_248], %gather3A_247 {strides = array<i32>} : memref<1024xf32, #tpu.memory_space<vmem>>, vector<16xf32>,
    %get3A_250 = arith.constant 800 : index
    %get3A_251 = tpu.vector_load %arg6[%get3A_250] {strides = array<i32>} : memref<1024xi32, #tpu.memory_space<vmem>>, vector<16xi32>,
    %gather3A_252 = tpu.vector_load_idx %arg5[%get3A_251] : memref<688xf32, #tpu.memory_space<vmem>>[vector<16xi32>], vector<16xf32>,
    %swap3A_253 = arith.constant 800 : index
    %swap3A_254 = tpu.vector_load %arg7[%swap3A_253] {strides = array<i32>} : memref<1024xf32, #tpu.memory_space<vmem>>, vector<16xf32>,
    tpu.vector_store %arg7[%swap3A_253], %gather3A_252 {strides = array<i32>} : memref<1024xf32, #tpu.memory_space<vmem>>, vector<16xf32>,
    %get3A_255 = arith.constant 816 : index
    %get3A_256 = tpu.vector_load %arg6[%get3A_255] {strides = array<i32>} : memref<1024xi32, #tpu.memory_space<vmem>>, vector<16xi32>,
    %gather3A_257 = tpu.vector_load_idx %arg5[%get3A_256] : memref<688xf32, #tpu.memory_space<vmem>>[vector<16xi32>], vector<16xf32>,
    %swap3A_258 = arith.constant 816 : index
    %swap3A_259 = tpu.vector_load %arg7[%swap3A_258] {strides = array<i32>} : memref<1024xf32, #tpu.memory_space<vmem>>, vector<16xf32>,
    tpu.vector_store %arg7[%swap3A_258], %gather3A_257 {strides = array<i32>} : memref<1024xf32, #tpu.memory_space<vmem>>, vector<16xf32>,
    %get3A_260 = arith.constant 832 : index
    %get3A_261 = tpu.vector_load %arg6[%get3A_260] {strides = array<i32>} : memref<1024xi32, #tpu.memory_space<vmem>>, vector<16xi32>,
    %gather3A_262 = tpu.vector_load_idx %arg5[%get3A_261] : memref<688xf32, #tpu.memory_space<vmem>>[vector<16xi32>], vector<16xf32>,
    %swap3A_263 = arith.constant 832 : index
    %swap3A_264 = tpu.vector_load %arg7[%swap3A_263] {strides = array<i32>} : memref<1024xf32, #tpu.memory_space<vmem>>, vector<16xf32>,
    tpu.vector_store %arg7[%swap3A_263], %gather3A_262 {strides = array<i32>} : memref<1024xf32, #tpu.memory_space<vmem>>, vector<16xf32>,
    %get3A_265 = arith.constant 848 : index
    %get3A_266 = tpu.vector_load %arg6[%get3A_265] {strides = array<i32>} : memref<1024xi32, #tpu.memory_space<vmem>>, vector<16xi32>,
    %gather3A_267 = tpu.vector_load_idx %arg5[%get3A_266] : memref<688xf32, #tpu.memory_space<vmem>>[vector<16xi32>], vector<16xf32>,
    %swap3A_268 = arith.constant 848 : index
    %swap3A_269 = tpu.vector_load %arg7[%swap3A_268] {strides = array<i32>} : memref<1024xf32, #tpu.memory_space<vmem>>, vector<16xf32>,
    tpu.vector_store %arg7[%swap3A_268], %gather3A_267 {strides = array<i32>} : memref<1024xf32, #tpu.memory_space<vmem>>, vector<16xf32>,
    %get3A_270 = arith.constant 864 : index
    %get3A_271 = tpu.vector_load %arg6[%get3A_270] {strides = array<i32>} : memref<1024xi32, #tpu.memory_space<vmem>>, vector<16xi32>,
    %gather3A_272 = tpu.vector_load_idx %arg5[%get3A_271] : memref<688xf32, #tpu.memory_space<vmem>>[vector<16xi32>], vector<16xf32>,
    %swap3A_273 = arith.constant 864 : index
    %swap3A_274 = tpu.vector_load %arg7[%swap3A_273] {strides = array<i32>} : memref<1024xf32, #tpu.memory_space<vmem>>, vector<16xf32>,
    tpu.vector_store %arg7[%swap3A_273], %gather3A_272 {strides = array<i32>} : memref<1024xf32, #tpu.memory_space<vmem>>, vector<16xf32>,
    %get3A_275 = arith.constant 880 : index
    %get3A_276 = tpu.vector_load %arg6[%get3A_275] {strides = array<i32>} : memref<1024xi32, #tpu.memory_space<vmem>>, vector<16xi32>,
    %gather3A_277 = tpu.vector_load_idx %arg5[%get3A_276] : memref<688xf32, #tpu.memory_space<vmem>>[vector<16xi32>], vector<16xf32>,
    %swap3A_278 = arith.constant 880 : index
    %swap3A_279 = tpu.vector_load %arg7[%swap3A_278] {strides = array<i32>} : memref<1024xf32, #tpu.memory_space<vmem>>, vector<16xf32>,
    tpu.vector_store %arg7[%swap3A_278], %gather3A_277 {strides = array<i32>} : memref<1024xf32, #tpu.memory_space<vmem>>, vector<16xf32>,
    %get3A_280 = arith.constant 896 : index
    %get3A_281 = tpu.vector_load %arg6[%get3A_280] {strides = array<i32>} : memref<1024xi32, #tpu.memory_space<vmem>>, vector<16xi32>,
    %gather3A_282 = tpu.vector_load_idx %arg5[%get3A_281] : memref<688xf32, #tpu.memory_space<vmem>>[vector<16xi32>], vector<16xf32>,
    %swap3A_283 = arith.constant 896 : index
    %swap3A_284 = tpu.vector_load %arg7[%swap3A_283] {strides = array<i32>} : memref<1024xf32, #tpu.memory_space<vmem>>, vector<16xf32>,
    tpu.vector_store %arg7[%swap3A_283], %gather3A_282 {strides = array<i32>} : memref<1024xf32, #tpu.memory_space<vmem>>, vector<16xf32>,
    %get3A_285 = arith.constant 912 : index
    %get3A_286 = tpu.vector_load %arg6[%get3A_285] {strides = array<i32>} : memref<1024xi32, #tpu.memory_space<vmem>>, vector<16xi32>,
    %gather3A_287 = tpu.vector_load_idx %arg5[%get3A_286] : memref<688xf32, #tpu.memory_space<vmem>>[vector<16xi32>], vector<16xf32>,
    %swap3A_288 = arith.constant 912 : index
    %swap3A_289 = tpu.vector_load %arg7[%swap3A_288] {strides = array<i32>} : memref<1024xf32, #tpu.memory_space<vmem>>, vector<16xf32>,
    tpu.vector_store %arg7[%swap3A_288], %gather3A_287 {strides = array<i32>} : memref<1024xf32, #tpu.memory_space<vmem>>, vector<16xf32>,
    %get3A_290 = arith.constant 928 : index
    %get3A_291 = tpu.vector_load %arg6[%get3A_290] {strides = array<i32>} : memref<1024xi32, #tpu.memory_space<vmem>>, vector<16xi32>,
    %gather3A_292 = tpu.vector_load_idx %arg5[%get3A_291] : memref<688xf32, #tpu.memory_space<vmem>>[vector<16xi32>], vector<16xf32>,
    %swap3A_293 = arith.constant 928 : index
    %swap3A_294 = tpu.vector_load %arg7[%swap3A_293] {strides = array<i32>} : memref<1024xf32, #tpu.memory_space<vmem>>, vector<16xf32>,
    tpu.vector_store %arg7[%swap3A_293], %gather3A_292 {strides = array<i32>} : memref<1024xf32, #tpu.memory_space<vmem>>, vector<16xf32>,
    %get3A_295 = arith.constant 944 : index
    %get3A_296 = tpu.vector_load %arg6[%get3A_295] {strides = array<i32>} : memref<1024xi32, #tpu.memory_space<vmem>>, vector<16xi32>,
    %gather3A_297 = tpu.vector_load_idx %arg5[%get3A_296] : memref<688xf32, #tpu.memory_space<vmem>>[vector<16xi32>], vector<16xf32>,
    %swap3A_298 = arith.constant 944 : index
    %swap3A_299 = tpu.vector_load %arg7[%swap3A_298] {strides = array<i32>} : memref<1024xf32, #tpu.memory_space<vmem>>, vector<16xf32>,
    tpu.vector_store %arg7[%swap3A_298], %gather3A_297 {strides = array<i32>} : memref<1024xf32, #tpu.memory_space<vmem>>, vector<16xf32>,
    %get3A_300 = arith.constant 960 : index
    %get3A_301 = tpu.vector_load %arg6[%get3A_300] {strides = array<i32>} : memref<1024xi32, #tpu.memory_space<vmem>>, vector<16xi32>,
    %gather3A_302 = tpu.vector_load_idx %arg5[%get3A_301] : memref<688xf32, #tpu.memory_space<vmem>>[vector<16xi32>], vector<16xf32>,
    %swap3A_303 = arith.constant 960 : index
    %swap3A_304 = tpu.vector_load %arg7[%swap3A_303] {strides = array<i32>} : memref<1024xf32, #tpu.memory_space<vmem>>, vector<16xf32>,
    tpu.vector_store %arg7[%swap3A_303], %gather3A_302 {strides = array<i32>} : memref<1024xf32, #tpu.memory_space<vmem>>, vector<16xf32>,
    %get3A_305 = arith.constant 976 : index
    %get3A_306 = tpu.vector_load %arg6[%get3A_305] {strides = array<i32>} : memref<1024xi32, #tpu.memory_space<vmem>>, vector<16xi32>,
    %gather3A_307 = tpu.vector_load_idx %arg5[%get3A_306] : memref<688xf32, #tpu.memory_space<vmem>>[vector<16xi32>], vector<16xf32>,
    %swap3A_308 = arith.constant 976 : index
    %swap3A_309 = tpu.vector_load %arg7[%swap3A_308] {strides = array<i32>} : memref<1024xf32, #tpu.memory_space<vmem>>, vector<16xf32>,
    tpu.vector_store %arg7[%swap3A_308], %gather3A_307 {strides = array<i32>} : memref<1024xf32, #tpu.memory_space<vmem>>, vector<16xf32>,
    %get3A_310 = arith.constant 992 : index
    %get3A_311 = tpu.vector_load %arg6[%get3A_310] {strides = array<i32>} : memref<1024xi32, #tpu.memory_space<vmem>>, vector<16xi32>,
    %gather3A_312 = tpu.vector_load_idx %arg5[%get3A_311] : memref<688xf32, #tpu.memory_space<vmem>>[vector<16xi32>], vector<16xf32>,
    %swap3A_313 = arith.constant 992 : index
    %swap3A_314 = tpu.vector_load %arg7[%swap3A_313] {strides = array<i32>} : memref<1024xf32, #tpu.memory_space<vmem>>, vector<16xf32>,
    tpu.vector_store %arg7[%swap3A_313], %gather3A_312 {strides = array<i32>} : memref<1024xf32, #tpu.memory_space<vmem>>, vector<16xf32>,
    %get3A_315 = arith.constant 1008 : index
    %get3A_316 = tpu.vector_load %arg6[%get3A_315] {strides = array<i32>} : memref<1024xi32, #tpu.memory_space<vmem>>, vector<16xi32>,
    %gather3A_317 = tpu.vector_load_idx %arg5[%get3A_316] : memref<688xf32, #tpu.memory_space<vmem>>[vector<16xi32>], vector<16xf32>,
    %swap3A_318 = arith.constant 1008 : index
    %swap3A_319 = tpu.vector_load %arg7[%swap3A_318] {strides = array<i32>} : memref<1024xf32, #tpu.memory_space<vmem>>, vector<16xf32>,
    tpu.vector_store %arg7[%swap3A_318], %gather3A_317 {strides = array<i32>} : memref<1024xf32, #tpu.memory_space<vmem>>, vector<16xf32>,
    "tpu.region"() ({
      %run_scoped3A = tpu.sem_alloc : memref<!tpu.dma_semaphore, #tpu.memory_space<semaphore_mem>>
      %dma_start3A_320 = tpu.memref_slice %arg4[%mul3A_0] : memref<16384xf32, #tpu.memory_space<hbm>> -> memref<1024xf32, #tpu.memory_space<hbm>>
      %dma_start3A_321 = tpu.memref_slice %arg4[%mul3A_0] : memref<16384xf32, #tpu.memory_space<hbm>> -> memref<1024xf32, #tpu.memory_space<hbm>>
      tpu.enqueue_dma source(%arg7 : memref<1024xf32, #tpu.memory_space<vmem>>) target(%dma_start3A_321 : memref<1024xf32, #tpu.memory_space<hbm>>) target_semaphore(%run_scoped3A : memref<!tpu.dma_semaphore, #tpu.memory_space<semaphore_mem>>)
      %dma_wait3A_322 = tpu.memref_slice %arg4[%mul3A_0] : memref<16384xf32, #tpu.memory_space<hbm>> -> memref<1024xf32, #tpu.memory_space<hbm>>
      %dma_wait3A_323 = tpu.memref_slice %arg4[%mul3A_0] : memref<16384xf32, #tpu.memory_space<hbm>> -> memref<1024xf32, #tpu.memory_space<hbm>>
      tpu.wait_dma2 semaphore(%run_scoped3A : memref<!tpu.dma_semaphore, #tpu.memory_space<semaphore_mem>>) src(%arg7 : memref<1024xf32, #tpu.memory_space<vmem>>) dst(%dma_wait3A_323 : memref<1024xf32, #tpu.memory_space<hbm>>)
      tpu.yield
    }) : () -> ()
    return
  }
}

module attributes {stable_mosaic.version = 14 : i64} {
  func.func @_table_body(%arg0: memref<16384xi32, #tpu.memory_space<vmem>>, %arg1: memref<16384xi32, #tpu.memory_space<vmem>>, %arg2: memref<26x60xf32, #tpu.memory_space<vmem>>, %arg3: memref<26x60xf32, #tpu.memory_space<vmem>>, %arg4: memref<60x120xf32, #tpu.memory_space<vmem>>, %arg5: memref<1x60xf32, #tpu.memory_space<vmem>>, %arg6: memref<1x60xf32, #tpu.memory_space<vmem>>, %arg7: memref<1x1xf32, #tpu.memory_space<vmem>>, %arg8: memref<688xf32, #tpu.memory_space<vmem>>, %arg9: memref<16384xi32, #tpu.memory_space<vmem>>) attributes {dimension_semantics = [], scalar_prefetch = 0 : i64, scratch_operands = 0 : i64, tpu.core_type = #tpu.core_type<tc>} {
    %get3A = arith.constant 0 : index
    %get3A_0 = vector.load %arg0[%get3A] : memref<16384xi32, #tpu.memory_space<vmem>>, vector<16384xi32>
    %mul3A = arith.constant 26 : i32
    %mul3A_1 = vector.broadcast %mul3A : i32 to vector<16384xi32>
    %mul3A_2 = arith.muli %get3A_0, %mul3A_1 : vector<16384xi32>
    %get3A_3 = arith.constant 0 : index
    %get3A_4 = vector.load %arg1[%get3A_3] : memref<16384xi32, #tpu.memory_space<vmem>>, vector<16384xi32>
    %add3A = arith.addi %mul3A_2, %get3A_4 : vector<16384xi32>
    %swap3A = arith.constant 0 : index
    %swap3A_5 = vector.load %arg9[%swap3A] : memref<16384xi32, #tpu.memory_space<vmem>>, vector<16384xi32>
    tpu.vector_store %arg9[%swap3A], %add3A {strides = array<i32>} : memref<16384xi32, #tpu.memory_space<vmem>>, vector<16384xi32>,
    %get3A_6 = arith.constant 0 : index
    %get3A_7 = arith.constant 0 : index
    %get3A_8 = vector.load %arg2[%get3A_6, %get3A_7] : memref<26x60xf32, #tpu.memory_space<vmem>>, vector<26x60xf32>
    %max3A = arith.constant 0.000000e+00 : f32
    %max3A_9 = vector.broadcast %max3A : f32 to vector<26x60xf32>
    %max3A_10 = arith.maximumf %get3A_8, %max3A_9 : vector<26x60xf32>
    %get3A_11 = arith.constant 0 : index
    %get3A_12 = arith.constant 0 : index
    %get3A_13 = vector.load %arg3[%get3A_11, %get3A_12] : memref<26x60xf32, #tpu.memory_space<vmem>>, vector<26x60xf32>
    %max3A_14 = arith.constant 0.000000e+00 : f32
    %max3A_15 = vector.broadcast %max3A_14 : f32 to vector<26x60xf32>
    %max3A_16 = arith.maximumf %get3A_13, %max3A_15 : vector<26x60xf32>
    %iota3A = tpu.iota {dimensions = array<i32: 0>} : vector<688x26xi32>
    %jit3A = arith.constant 26 : i32
    %div3A = vector.broadcast %jit3A : i32 to vector<688x26xi32>
    %div3A_17 = arith.divsi %iota3A, %div3A : vector<688x26xi32>
    %sign3A = arith.constant 0 : i32
    %sign3A_18 = vector.broadcast %sign3A : i32 to vector<688x26xi32>
    %sign3A_19 = arith.cmpi sgt, %iota3A, %sign3A_18 : vector<688x26xi32>
    %sign3A_20 = arith.extui %sign3A_19 : vector<688x26xi1> to vector<688x26xi32>
    %sign3A_21 = arith.constant 0 : i32
    %sign3A_22 = vector.broadcast %sign3A_21 : i32 to vector<688x26xi32>
    %sign3A_23 = arith.cmpi slt, %iota3A, %sign3A_22 : vector<688x26xi32>
    %sign3A_24 = arith.extui %sign3A_23 : vector<688x26xi1> to vector<688x26xi32>
    %sign3A_25 = arith.subi %sign3A_20, %sign3A_24 : vector<688x26xi32>
    %sign3A_26 = arith.constant 0 : i32
    %sign3A_27 = arith.cmpi sgt, %jit3A, %sign3A_26 : i32
    %sign3A_28 = arith.extui %sign3A_27 : i1 to i32
    %sign3A_29 = arith.constant 0 : i32
    %sign3A_30 = arith.cmpi slt, %jit3A, %sign3A_29 : i32
    %sign3A_31 = arith.extui %sign3A_30 : i1 to i32
    %sign3A_32 = arith.subi %sign3A_28, %sign3A_31 : i32
    %ne3A = vector.broadcast %sign3A_32 : i32 to vector<688x26xi32>
    %ne3A_33 = arith.cmpi ne, %sign3A_25, %ne3A : vector<688x26xi32>
    %rem3A = vector.broadcast %jit3A : i32 to vector<688x26xi32>
    %rem3A_34 = arith.remsi %iota3A, %rem3A : vector<688x26xi32>
    %ne3A_35 = arith.constant 0 : i32
    %ne3A_36 = vector.broadcast %ne3A_35 : i32 to vector<688x26xi32>
    %ne3A_37 = arith.cmpi ne, %rem3A_34, %ne3A_36 : vector<688x26xi32>
    %and3A = arith.andi %ne3A_33, %ne3A_37 : vector<688x26xi1>
    %sub3A = arith.constant 1 : i32
    %sub3A_38 = vector.broadcast %sub3A : i32 to vector<688x26xi32>
    %sub3A_39 = arith.subi %div3A_17, %sub3A_38 : vector<688x26xi32>
    %select_n3A = arith.select %and3A, %sub3A_39, %div3A_17 : vector<688x26xi1>, vector<688x26xi32>
    %iota3A_40 = tpu.iota {dimensions = array<i32: 0>} : vector<688x26xi32>
    %jit3A_41 = arith.constant 26 : i32
    %eq3A = arith.constant 0 : i32
    %eq3A_42 = arith.cmpi eq, %jit3A_41, %eq3A : i32
    %jit3A_43 = arith.constant 1 : i32
    %select_n3A_44 = arith.select %eq3A_42, %jit3A_43, %jit3A_41 : i32
    %rem3A_45 = vector.broadcast %select_n3A_44 : i32 to vector<688x26xi32>
    %rem3A_46 = arith.remsi %iota3A_40, %rem3A_45 : vector<688x26xi32>
    %ne3A_47 = arith.constant 0 : i32
    %ne3A_48 = vector.broadcast %ne3A_47 : i32 to vector<688x26xi32>
    %ne3A_49 = arith.cmpi ne, %rem3A_46, %ne3A_48 : vector<688x26xi32>
    %lt3A = arith.constant 0 : i32
    %lt3A_50 = vector.broadcast %lt3A : i32 to vector<688x26xi32>
    %lt3A_51 = arith.cmpi slt, %rem3A_46, %lt3A_50 : vector<688x26xi32>
    %lt3A_52 = arith.constant 0 : i32
    %lt3A_53 = arith.cmpi slt, %select_n3A_44, %lt3A_52 : i32
    %ne3A_54 = vector.broadcast %lt3A_53 : i1 to vector<688x26xi1>
    %ne3A_55 = vector.broadcast %ne3A_54 : vector<688x26xi1> to vector<688x26xi1>
    %ne3A_56 = arith.xori %lt3A_51, %ne3A_55 : vector<688x26xi1>
    %and3A_57 = arith.andi %ne3A_56, %ne3A_49 : vector<688x26xi1>
    %add3A_58 = vector.broadcast %select_n3A_44 : i32 to vector<688x26xi32>
    %add3A_59 = arith.addi %rem3A_46, %add3A_58 : vector<688x26xi32>
    %select_n3A_60 = arith.select %and3A_57, %add3A_59, %rem3A_46 : vector<688x26xi1>, vector<688x26xi32>
    %iota3A_61 = tpu.iota {dimensions = array<i32: 1>} : vector<688x26xi32>
    %eq3A_62 = arith.cmpi eq, %select_n3A, %iota3A_61 : vector<688x26xi32>
    %jit3A_63 = arith.constant 1.000000e+00 : f32
    %jit3A_64 = arith.constant 0.000000e+00 : f32
    %broadcast_in_dim3A = vector.broadcast %jit3A_63 : f32 to vector<688x26xf32>
    %broadcast_in_dim3A_65 = vector.broadcast %jit3A_64 : f32 to vector<688x26xf32>
    %select_n3A_66 = arith.select %eq3A_62, %broadcast_in_dim3A, %broadcast_in_dim3A_65 : vector<688x26xi1>, vector<688x26xf32>
    %eq3A_67 = arith.cmpi eq, %select_n3A_60, %iota3A_61 : vector<688x26xi32>
    %jit3A_68 = arith.constant 1.000000e+00 : f32
    %jit3A_69 = arith.constant 0.000000e+00 : f32
    %broadcast_in_dim3A_70 = vector.broadcast %jit3A_68 : f32 to vector<688x26xf32>
    %broadcast_in_dim3A_71 = vector.broadcast %jit3A_69 : f32 to vector<688x26xf32>
    %select_n3A_72 = arith.select %eq3A_67, %broadcast_in_dim3A_70, %broadcast_in_dim3A_71 : vector<688x26xi1>, vector<688x26xf32>
    %dot_general3A = arith.constant dense<0.000000e+00> : vector<688x60xf32>
    %dot_general3A_73 = tpu.matmul %select_n3A_66, %max3A_10, %dot_general3A {dimension_numbers = #tpu.dot_dimension_numbers<[1], [0], [0], [1], [0, 0, 1, 1], [], []>, transpose_lhs_hint = false} : vector<688x26xf32>, vector<26x60xf32>, vector<688x60xf32> -> vector<688x60xf32>
    %dot_general3A_74 = arith.constant dense<0.000000e+00> : vector<688x60xf32>
    %dot_general3A_75 = tpu.matmul %select_n3A_72, %max3A_16, %dot_general3A_74 {dimension_numbers = #tpu.dot_dimension_numbers<[1], [0], [0], [1], [0, 0, 1, 1], [], []>, transpose_lhs_hint = false} : vector<688x26xf32>, vector<26x60xf32>, vector<688x60xf32> -> vector<688x60xf32>
    %concatenate3A = tpu.concatenate %dot_general3A_73, %dot_general3A_75 in 1 : vector<688x60xf32>, vector<688x60xf32> -> vector<688x120xf32>
    %get3A_76 = arith.constant 0 : index
    %get3A_77 = arith.constant 0 : index
    %get3A_78 = vector.load %arg4[%get3A_76, %get3A_77] : memref<60x120xf32, #tpu.memory_space<vmem>>, vector<60x120xf32>
    %dot_general3A_79 = arith.constant dense<0.000000e+00> : vector<688x60xf32>
    %dot_general3A_80 = tpu.matmul %concatenate3A, %get3A_78, %dot_general3A_79 {dimension_numbers = #tpu.dot_dimension_numbers<[1], [1], [0], [0], [0, 0, 1, 0], [], []>, transpose_lhs_hint = false} : vector<688x120xf32>, vector<60x120xf32>, vector<688x60xf32> -> vector<688x60xf32>
    %get3A_81 = arith.constant 0 : index
    %get3A_82 = arith.constant 0 : index
    %get3A_83 = vector.load %arg5[%get3A_81, %get3A_82] : memref<1x60xf32, #tpu.memory_space<vmem>>, vector<1x60xf32>
    %add3A_84 = vector.broadcast %get3A_83 : vector<1x60xf32> to vector<688x60xf32>
    %add3A_85 = arith.addf %dot_general3A_80, %add3A_84 : vector<688x60xf32>
    %max3A_86 = arith.constant 0.000000e+00 : f32
    %max3A_87 = vector.broadcast %max3A_86 : f32 to vector<688x60xf32>
    %max3A_88 = arith.maximumf %add3A_85, %max3A_87 : vector<688x60xf32>
    %get3A_89 = arith.constant 0 : index
    %get3A_90 = arith.constant 0 : index
    %get3A_91 = vector.load %arg6[%get3A_89, %get3A_90] : memref<1x60xf32, #tpu.memory_space<vmem>>, vector<1x60xf32>
    %dot_general3A_92 = arith.constant dense<0.000000e+00> : vector<1x688xf32>
    %dot_general3A_93 = tpu.matmul %get3A_91, %max3A_88, %dot_general3A_92 {dimension_numbers = #tpu.dot_dimension_numbers<[1], [1], [0], [0], [0, 0, 1, 0], [], []>, transpose_lhs_hint = false} : vector<1x60xf32>, vector<688x60xf32>, vector<1x688xf32> -> vector<1x688xf32>
    %get3A_94 = arith.constant 0 : index
    %get3A_95 = arith.constant 0 : index
    %get3A_96 = vector.load %arg7[%get3A_94, %get3A_95] : memref<1x1xf32, #tpu.memory_space<vmem>>, vector<1x1xf32>
    %add3A_97 = vector.broadcast %get3A_96 : vector<1x1xf32> to vector<1x688xf32>
    %add3A_98 = arith.addf %dot_general3A_93, %add3A_97 : vector<1x688xf32>
    %reshape3A = vector.shape_cast %add3A_98 : vector<1x688xf32> to vector<688xf32>
    %swap3A_99 = arith.constant 0 : index
    %swap3A_100 = vector.load %arg8[%swap3A_99] : memref<688xf32, #tpu.memory_space<vmem>>, vector<688xf32>
    tpu.vector_store %arg8[%swap3A_99], %reshape3A {strides = array<i32>} : memref<688xf32, #tpu.memory_space<vmem>>, vector<688xf32>,
    return
  }
}

</mosaic_0001>

<sc_bundles>
// kernel: kernel.4.cloned.1.call-start
scs
__scs_entry_jumppad:
0x0: {  	(pc) =	sbr.rel $0x88, $3  }
0x1: {  	(tag) =	ssettag $0x0;
	lr =	simm.s32 $0x1  }
0x2: {  	[smem:$0x3F99] =	sst lr;
	_ =	strace $0xD0000000  }
0x3: {  	_ = 	snop  }
0x4: {  	_ = 	snop  }
0x5: {  	_ = 	snop  }
0x6: {  	_ = 	snop  }
0x7: {  	_ = 	snop  }
__scs_overlays_trampoline_lowered:
0x8: {  	[smem:$0x3FA8] =	sst s0  }
0x9: {  	[smem:$0x3FA9] =	sst s1  }
0xa: {  	[smem:$0x3FAA] =	sst s2  }
0xb: {  	[smem:$0x3FAB] =	sst s3  }
0xc: {  	[smem:$0x3FAC] =	sst s4  }
0xd: {  	[smem:$0x3FAD] =	sst s5  }
0xe: {  	[smem:$0x3FAE] =	sst s6  }
0xf: {  	[smem:$0x3FAF] =	sst s7  }
0x10: {  	[smem:$0x3FB0] =	sst s8  }
0x11: {  	[smem:$0x3FB1] =	sst s9;
	s0 =	simm.s32 @!p0 $0x0  }
0x12: {  	s1 =	sld [smem:$0x3F97];
	s0 =	simm.s32 @p0 $0x1  }
0x13: {  	[smem:$0x3FB2] =	sst s0;
	s0 =	simm.s32 @!p1 $0x0  }
0x14: {  	s2 =	sld [smem:$0x3F96];
	s0 =	simm.s32 @p1 $0x1  }
0x15: {  	[smem:$0x3FB3] =	sst s0;
	s0 =	simm.s32 @!p2 $0x0  }
0x16: {  	s3 =	sld [smem:$0x3FDB];
	s0 =	simm.s32 @p2 $0x1  }
0x17: {  	s4 =	simm.s32 $0x1BF5;
	[smem:$0x3FB5] =	sst s0  }
0x18: {  	s0 =	sld [smem:$0x3F98];
	_ =	swait.ge [sflag:s4], $0x0  }
0x19: {  	s7 =	sld [smem:$0x3F99]  }
0x1a: {  	s8 =	sadd.s32 $0xFFFFE003, lr  }
0x1b: {  	s9 =	sadd.s32 $0xFFFFFEF7, lr;
	s5 =	simm.s32 $0xFFFFFFFF;
	p2 =	slt.u32 s8, $0xFFFFF086  }
0x1c: {  	p1 =	slt.u32 s9, $0xF7A;
	s5 =	simm.s32 @!p2 $0x0  }
0x1d: {  	s5 =	simm.s32 @p1 $0x1;
	p0 =	seq.s32 s7, s2  }
0x1e: {  	s7 =	smul.u32 @!p0 $0xF7A, s2;
	p2 =	seq.s32 @!p0 s5, $0x0  }
0x1f: {  	s9 =	smul.u32 $0xF7A, s1;
	s8 =	simm.s32 @!p0 $0x1BF5;
	p2 =	por !p2, p0  }
0x20: {  	[sflag:s8] =	ssyncset.s32 @!p0 $0xFFFFF086;
	s6 =	sadd.s32 @!p0 s3, s7;
	s7 =	simm.s32 @!p0 $0x108  }
0x21: {  	s3 =	sadd.s32 s3, s9;
	s6 =	sadd.s32 @!p0 $0x88, s6;
	s7 =	simm.s32 @p2 $0x1082  }
0x22: {  	[simem:s7], [sflag:s8] =	dma.local @!p0 [hbm:s6], $0xF7A  }
0x23: {  	s9 =	sor.u32 $0xD0000000, s2;
	s6 =	simm.s32 $0x108;
	_ =	swait.ge @!p0 [sflag:s8], $0x0  }
0x24: {  	s3 =	sadd.s32 $0x88, s3;
	s6 =	simm.s32 @!p1 $0x1082;
	[sflag:s4] =	ssyncset.s32 $0xFFFFF086  }
0x25: {  	[simem:s6], [sflag:s4] =	dma.local [hbm:s3], $0xF7A  }
0x26: {  	[smem:$0x3F99] =	sst s1;
	(tag) =	ssettag s2;
	_ =	strace s9  }
0x27: {  	s1 =	sld [smem:$0x3FA9]  }
0x28: {  	s2 =	sld [smem:$0x3FAA]  }
0x29: {  	s4 =	sld [smem:$0x3FAC]  }
0x2a: {  	p0 =	seq.s32 s5, $0x0;
	s5 =	sld [smem:$0x3FAD]  }
0x2b: {  	s6 =	sld [smem:$0x3FAE]  }
0x2c: {  	s7 =	sld [smem:$0x3FAF]  }
0x2d: {  	s3 =	simm.s32 $0x108;
	s8 =	sld [smem:$0x3FB0]  }
0x2e: {  	s3 =	simm.s32 @!p0 $0x1082;
	s9 =	sld [smem:$0x3FB1]  }
0x2f: {  	lr =	sadd.s32 s0, s3;
	s0 =	sld [smem:$0x3FA8]  }
0x30: {  	s3 =	sld [smem:$0x3FAB]  }
0x31: {  	[smem:$0x3FB4] =	sst s10  }
0x32: {  	s10 =	sld [smem:$0x3FB2];
	_ =	sdelay $0x3  }
0x33: {  	p0 =	seq.s32 s10, $0x1;
	s10 =	sld [smem:$0x3FB4];
	_ =	sdelay $0x3  }
0x34: {  	[smem:$0x3FB4] =	sst s10  }
0x35: {  	s10 =	sld [smem:$0x3FB3];
	_ =	sdelay $0x3  }
0x36: {  	p1 =	seq.s32 s10, $0x1;
	s10 =	sld [smem:$0x3FB4];
	_ =	sdelay $0x3  }
0x37: {  	[smem:$0x3FB4] =	sst s10  }
0x38: {  	s10 =	sld [smem:$0x3FB5]  }
0x39: {  	_ = 	snop;
	(pc) =	sbr.ind lr, $3  }
0x3a: {  	_ = 	snop  }
0x3b: {  	_ = 	snop  }
0x3c: {  	p2 =	seq.s32 s10, $0x1;
	s10 =	sld [smem:$0x3FB4]  }
0x3d: {  	_ =	shalt  }
0x3e: {  	_ =	shalt  }
0x3f: {  	_ =	shalt  }
0x40: {  	_ =	shalt  }
0x41: {  	_ =	shalt  }
0x42: {  	_ =	shalt  }
0x43: {  	_ =	shalt  }
0x44: {  	_ =	shalt  }
0x45: {  	_ =	shalt  }
0x46: {  	_ =	shalt  }
0x47: {  	_ =	shalt  }
0x48: {  	_ =	shalt  }
0x49: {  	_ =	shalt  }
0x4a: {  	_ =	shalt  }
0x4b: {  	_ =	shalt  }
0x4c: {  	_ =	shalt  }
0x4d: {  	_ =	shalt  }
0x4e: {  	_ =	shalt  }
0x4f: {  	_ =	shalt  }
0x50: {  	_ =	shalt  }
0x51: {  	_ =	shalt  }
0x52: {  	_ =	shalt  }
0x53: {  	_ =	shalt  }
0x54: {  	_ =	shalt  }
0x55: {  	_ =	shalt  }
0x56: {  	_ =	shalt  }
0x57: {  	_ =	shalt  }
0x58: {  	_ =	shalt  }
0x59: {  	_ =	shalt  }
0x5a: {  	_ =	shalt  }
0x5b: {  	_ =	shalt  }
0x5c: {  	_ =	shalt  }
0x5d: {  	_ =	shalt  }
0x5e: {  	_ =	shalt  }
0x5f: {  	_ =	shalt  }
0x60: {  	_ =	shalt  }
0x61: {  	_ =	shalt  }
0x62: {  	_ =	shalt  }
0x63: {  	_ =	shalt  }
0x64: {  	_ =	shalt  }
0x65: {  	_ =	shalt  }
0x66: {  	_ =	shalt  }
0x67: {  	_ =	shalt  }
0x68: {  	_ =	shalt  }
0x69: {  	_ =	shalt  }
0x6a: {  	_ =	shalt  }
0x6b: {  	_ =	shalt  }
0x6c: {  	_ =	shalt  }
0x6d: {  	_ =	shalt  }
0x6e: {  	_ =	shalt  }
0x6f: {  	_ =	shalt  }
0x70: {  	_ =	shalt  }
0x71: {  	_ =	shalt  }
0x72: {  	_ =	shalt  }
0x73: {  	_ =	shalt  }
0x74: {  	_ =	shalt  }
0x75: {  	_ =	shalt  }
0x76: {  	_ =	shalt  }
0x77: {  	_ =	shalt  }
0x78: {  	_ =	shalt  }
0x79: {  	_ =	shalt  }
0x7a: {  	_ =	shalt  }
0x7b: {  	_ =	shalt  }
0x7c: {  	_ =	shalt  }
0x7d: {  	_ =	shalt  }
0x7e: {  	_ =	shalt  }
0x7f: {  	_ =	shalt  }
0x80: {  	_ =	shalt  }
0x81: {  	_ =	shalt  }
0x82: {  	_ =	shalt  }
0x83: {  	_ =	shalt  }
0x84: {  	_ =	shalt  }
0x85: {  	_ =	shalt  }
0x86: {  	_ =	shalt  }
0x87: {  	_ =	shalt  }
.Lfunc_end0:
.L_simem_size_0:
called_computation_lowered:
.L_overlay_start_0:
0x88: {  	s0 =	sld [smem:$0x3FD9]  }
0x89: {  	s1 =	sld [smem:$0x3FFE];
	_ =	sdelay $0x3  }
0x8a: {  	s0 =	sadd.s32 s1, s0  }
0x8b: {  	[smem:$0x3FC0] =	sst s0  }
0x8c: {  	_ = 	snop  }
0x8d: {  	s0 =	sld [smem:$0x3FD0];
	(tm) =	ssettm $0x1  }
0x8e: {  	s16 =	sld [smem:$0x3FFB];
	_ =	sdelay $0x3  }
0x8f: {  	_ =	strace s16  }
0x90: {  	s1 =	sld [smem:$0x3FFC];
	_ =	sdelay $0x3  }
0x91: {  	_ =	strace s1  }
0x92: {  	s1 =	sld [smem:$0x3FFD];
	_ =	sdelay $0x3  }
0x93: {  	_ =	strace s1  }
0x94: {  	_ =	strace $0x8FFFFFFF  }
0x95: {  	s17 =	sld [smem:$0x3FDB];
	_ =	sdelay $0x1  }
0x96: {  	s2 =	simm.s32 $_scs_section_size  }
0x97: {  	s3 =	simm.s32 $_size__tile_overlayer_lowered;
	s4 =	simm.s32 $_tile_overlayer_lowered  }
0x98: {  	s20 =	simm.s32 $0x1BFF;
	s19 =	sshll.u32 s4, $0x1;
	s1 =	sadd.s32 s2, s17  }
0x99: {  	s5 =	simm.s32 $0x0;
	s18 =	sshll.u32 s3, $0x1;
	s3 =	sadd.s32 s19, s1  }
0x9a: {  	[timem:s5], [sflag:s20] =	dma.local [hbm:s3], s18  }
0x9b: {  	_ =	swait.ge [sflag:s20], s18  }
0x9c: {  	s2 =	ssub.s32 $0x0, s18;
	[sflag:s20] =	ssyncset.done $0x0  }
0x9d: {  	[sflag:s20] =	ssyncadd.s32 s2;
	_ =	sdelay $0x1  }
0x9e: {  	s21 =	simm.s32 $0x1B8B  }
0x9f: {  	_ =	swait.ge [sflag:s21], $0x1  }
0xa0: {  	[sflag:s21] =	ssyncset.done $0x0  }
0xa1: {  	s23 =	simm.s32 $0x1B8E;
	s22 =	sld [smem:$0x3FFE];
	[sflag:s21] =	ssyncadd.s32 $0xFFFFFFFF  }
0xa2: {  	s24 =	simm.s32 $execute0_lowered;
	[smem:$0x3FD2] =	sst s23  }
0xa3: {  	s3 =	sshll.u32 s24, $0x1;
	_ =	strace $0x80000046;
	[dreg:$0x1] =	wrdreg $0xFFFFFFFF  }
0xa4: {  	s25 =	simm.s32 $_size_execute0_lowered;
	s1 =	sadd.s32 s1, s3;
	[dreg:$0x0] =	wrdreg $0x0  }
0xa5: {  	s3 =	sshll.u32 s25, $0x1;
	[dreg:$0x2] =	wrdreg s1  }
0xa6: {  	[dreg:$0x3] =	wrdreg s3  }
0xa7: {  	[dreg:$0x4] =	wrdreg $0xC0  }
0xa8: {  	_ =	task [dreg:s5], $0x5FFFF  }
0xa9: {  	[dreg:$0x1] =	wrdreg $0xFFFFFFFF  }
0xaa: {  	[dreg:$0x0] =	wrdreg $0x60  }
0xab: {  	[dreg:$0x2] =	wrdreg s22  }
0xac: {  	[dreg:$0x3] =	wrdreg s0  }
0xad: {  	[dreg:$0x4] =	wrdreg $0x9  }
0xae: {  	_ =	task.clear_ibuf [dreg:s5], $0x5FFFF;
	_ =	strace $0x90000046  }
0xaf: {  	s26 =	simm.s32 $0x9;
	_ =	strace $0x80000048  }
0xb0: {  	_ =	swait.ge [sflag:s26], $0x1  }
0xb1: {  	[sflag:s26] =	ssyncadd.s32 $0xFFFFFFFF  }
0xb2: {  	_ =	strace $0x90000048  }
0xb3: {  	_ =	sfence  }
0xb4: {  	s28 =	sld [smem:$0x0];
	_ =	sdelay $0x1  }
0xb5: {  	s29 =	srdreg.scid  }
0xb6: {  	s30 =	sshll.u32 s29, $0xD;
	s31 =	sshrl.u32 s29, $0x2  }
0xb7: {  	s2 =	sand.u32 $0x4000, s30;
	s1 =	sand.u32 $0x1, s29;
	s0 =	sadd.s32 s31, s28  }
0xb8: {  	s1 =	sor.u32 s2, s1;
	s0 =	sshll.u32 s0, $0x11  }
0xb9: {  	s0 =	sor.u32 s0, s1  }
0xba: {  	s0 =	sadd.s32 $0x8F2B, s0  }
0xbb: {  	[sflag:s0] =	ssyncadd.remote.s32 $0x1  }
0xbc: {  	_ =	sfence.sel $0xFFFF  }
0xbd: {  	[dreg:$0x0] =	wrdreg $0xFFFFFFFF;
	(pc) =	sbr.abs _section_cstart, $3  }
0xbe: {  	[dreg:$0x1] =	wrdreg $0xFFFFFFFF  }
0xbf: {  	_ =	task.clear_ibuf [dreg:s5], $0x2FFFF;
	_ =	strace $0x9FFFFFFF  }
0xc0: {  	(tm) =	ssettm $0x7FFFFFFF  }
0xc1: {  	_ =	shalt  }
tec
execute0_lowered:
.L_overlay_start_1:
0x0: {  	(tag) =	ssettag $0x1  }
0x1: {  	s5 =	rddreg [dreg:$0x0]  }
0x2: {  	s3 =	rddreg [dreg:$0x1]  }
0x3: {  	s0 =	rddreg [dreg:$0x2];
	s2 =	simm.s32 $0x0;
	s1 =	stileid.u32  }
0x4: {  	[smem:$0x7FF] =	sst s2;
	s4 =	sshll.u32 s1, $0x7  }
0x5: {  	s6 =	sadd.s32 $0x2000, s5;
	_ =	strace $0x80000047;
	s5 =	sadd.s32 s4, s5  }
0x6: {  	[tilespmem:s2], [sflag:$0x1] =	stream.linear.gather [hbm4b:s6+s2], $0x300, $0x38;
	[tilespmem:$0xB00] =	vst v63  }
0x7: {  	s26 =	simm.s32 $0x300;
	s28 =	simm.s32 $0x1;
	s5 =	sadd.s32 $0x1800, s5  }
0x8: {  	[tilespmem:s26], [sflag:$0x2] =	stream.linear.gather [hbm4b:s5+s2], $0x400, $0x38;
	[tilespmem:$0xB00] =	vst v63  }
0x9: {  	_ =	swait.ge [sflag:s28], $0x300  }
0xa: {  	[sflag:s28] =	ssyncset.done $0x0  }
0xb: {  	s29 =	simm.s32 $0x2;
	[sflag:s28] =	ssyncadd.s32 $0xFFFFFD00  }
0xc: {  	_ =	swait.ge [sflag:s29], $0x400  }
0xd: {  	[sflag:s29] =	ssyncset.done $0x0  }
0xe: {  	[sflag:s29] =	ssyncadd.s32 $0xFFFFFC00  }
0xf: {  	v0 =	vld [tilespmem:$0x300];
	_ =	sdelay $0x5  }
0x10: {  	v1 =	vld [tilespmem:$0x310];
	_ =	sdelay $0x1  }
0x11: {  	v0 =	vld.idx.msk [tilespmem:v0+s2+$0x0], $0xffff;
	_ =	sdelay $0x3  }
0x12: {  	v2 =	vld [tilespmem:$0x320]  }
0x13: {  	[tilespmem:$0x700] =	vst v0  }
0x14: {  	v0 =	vld.idx.msk [tilespmem:v1+s2+$0x0], $0xffff;
	_ =	sdelay $0x3  }
0x15: {  	v63 =	vld [tilespmem:$0x330]  }
0x16: {  	[tilespmem:$0x710] =	vst v0  }
0x17: {  	v0 =	vld.idx.msk [tilespmem:v2+s2+$0x0], $0xffff;
	_ =	sdelay $0x3  }
0x18: {  	v4 =	vld [tilespmem:$0x340]  }
0x19: {  	[tilespmem:$0x720] =	vst v0  }
0x1a: {  	v0 =	vld.idx.msk [tilespmem:v63+s2+$0x0], $0xffff;
	_ =	sdelay $0x3  }
0x1b: {  	v5 =	vld [tilespmem:$0x350]  }
0x1c: {  	[tilespmem:$0x730] =	vst v0  }
0x1d: {  	v0 =	vld.idx.msk [tilespmem:v4+s2+$0x0], $0xffff;
	_ =	sdelay $0x3  }
0x1e: {  	v6 =	vld [tilespmem:$0x360]  }
0x1f: {  	[tilespmem:$0x740] =	vst v0  }
0x20: {  	v0 =	vld.idx.msk [tilespmem:v5+s2+$0x0], $0xffff;
	_ =	sdelay $0x3  }
0x21: {  	v7 =	vld [tilespmem:$0x370]  }
0x22: {  	[tilespmem:$0x750] =	vst v0  }
0x23: {  	v0 =	vld.idx.msk [tilespmem:v6+s2+$0x0], $0xffff;
	_ =	sdelay $0x3  }
0x24: {  	v8 =	vld [tilespmem:$0x380]  }
0x25: {  	[tilespmem:$0x760] =	vst v0  }
0x26: {  	v0 =	vld.idx.msk [tilespmem:v7+s2+$0x0], $0xffff;
	_ =	sdelay $0x3  }
0x27: {  	v9 =	vld [tilespmem:$0x390]  }
0x28: {  	[tilespmem:$0x770] =	vst v0  }
0x29: {  	v0 =	vld.idx.msk [tilespmem:v8+s2+$0x0], $0xffff;
	_ =	sdelay $0x3  }
0x2a: {  	v10 =	vld [tilespmem:$0x3A0]  }
0x2b: {  	[tilespmem:$0x780] =	vst v0  }
0x2c: {  	v0 =	vld.idx.msk [tilespmem:v9+s2+$0x0], $0xffff;
	_ =	sdelay $0x3  }
0x2d: {  	v11 =	vld [tilespmem:$0x3B0]  }
0x2e: {  	[tilespmem:$0x790] =	vst v0  }
0x2f: {  	v0 =	vld.idx.msk [tilespmem:v10+s2+$0x0], $0xffff;
	_ =	sdelay $0x3  }
0x30: {  	v12 =	vld [tilespmem:$0x3C0]  }
0x31: {  	[tilespmem:$0x7A0] =	vst v0  }
0x32: {  	v0 =	vld.idx.msk [tilespmem:v11+s2+$0x0], $0xffff;
	_ =	sdelay $0x3  }
0x33: {  	v13 =	vld [tilespmem:$0x3D0]  }
0x34: {  	[tilespmem:$0x7B0] =	vst v0  }
0x35: {  	v0 =	vld.idx.msk [tilespmem:v12+s2+$0x0], $0xffff;
	_ =	sdelay $0x3  }
0x36: {  	v14 =	vld [tilespmem:$0x3E0]  }
0x37: {  	[tilespmem:$0x7C0] =	vst v0  }
0x38: {  	v0 =	vld.idx.msk [tilespmem:v13+s2+$0x0], $0xffff;
	_ =	sdelay $0x3  }
0x39: {  	v15 =	vld [tilespmem:$0x3F0]  }
0x3a: {  	[tilespmem:$0x7D0] =	vst v0  }
0x3b: {  	v0 =	vld.idx.msk [tilespmem:v14+s2+$0x0], $0xffff;
	_ =	sdelay $0x3  }
0x3c: {  	v16 =	vld [tilespmem:$0x400]  }
0x3d: {  	[tilespmem:$0x7E0] =	vst v0  }
0x3e: {  	v0 =	vld.idx.msk [tilespmem:v15+s2+$0x0], $0xffff;
	_ =	sdelay $0x3  }
0x3f: {  	v17 =	vld [tilespmem:$0x410]  }
0x40: {  	[tilespmem:$0x7F0] =	vst v0  }
0x41: {  	v0 =	vld.idx.msk [tilespmem:v16+s2+$0x0], $0xffff;
	_ =	sdelay $0x3  }
0x42: {  	v18 =	vld [tilespmem:$0x420]  }
0x43: {  	[tilespmem:$0x800] =	vst v0  }
0x44: {  	v0 =	vld.idx.msk [tilespmem:v17+s2+$0x0], $0xffff;
	_ =	sdelay $0x3  }
0x45: {  	v19 =	vld [tilespmem:$0x430]  }
0x46: {  	[tilespmem:$0x810] =	vst v0  }
0x47: {  	v0 =	vld.idx.msk [tilespmem:v18+s2+$0x0], $0xffff;
	_ =	sdelay $0x3  }
0x48: {  	v20 =	vld [tilespmem:$0x440]  }
0x49: {  	[tilespmem:$0x820] =	vst v0  }
0x4a: {  	v0 =	vld.idx.msk [tilespmem:v19+s2+$0x0], $0xffff;
	_ =	sdelay $0x3  }
0x4b: {  	v21 =	vld [tilespmem:$0x450]  }
0x4c: {  	[tilespmem:$0x830] =	vst v0  }
0x4d: {  	v0 =	vld.idx.msk [tilespmem:v20+s2+$0x0], $0xffff;
	_ =	sdelay $0x3  }
0x4e: {  	v22 =	vld [tilespmem:$0x460]  }
0x4f: {  	[tilespmem:$0x840] =	vst v0  }
0x50: {  	v0 =	vld.idx.msk [tilespmem:v21+s2+$0x0], $0xffff;
	_ =	sdelay $0x3  }
0x51: {  	v23 =	vld [tilespmem:$0x470]  }
0x52: {  	[tilespmem:$0x850] =	vst v0  }
0x53: {  	v0 =	vld.idx.msk [tilespmem:v22+s2+$0x0], $0xffff;
	_ =	sdelay $0x3  }
0x54: {  	v24 =	vld [tilespmem:$0x480]  }
0x55: {  	[tilespmem:$0x860] =	vst v0  }
0x56: {  	v0 =	vld.idx.msk [tilespmem:v23+s2+$0x0], $0xffff;
	_ =	sdelay $0x3  }
0x57: {  	v25 =	vld [tilespmem:$0x490]  }
0x58: {  	[tilespmem:$0x870] =	vst v0  }
0x59: {  	v0 =	vld.idx.msk [tilespmem:v24+s2+$0x0], $0xffff;
	_ =	sdelay $0x3  }
0x5a: {  	v26 =	vld [tilespmem:$0x4A0]  }
0x5b: {  	[tilespmem:$0x880] =	vst v0  }
0x5c: {  	v0 =	vld.idx.msk [tilespmem:v25+s2+$0x0], $0xffff;
	_ =	sdelay $0x3  }
0x5d: {  	v27 =	vld [tilespmem:$0x4B0]  }
0x5e: {  	[tilespmem:$0x890] =	vst v0  }
0x5f: {  	v0 =	vld.idx.msk [tilespmem:v26+s2+$0x0], $0xffff;
	_ =	sdelay $0x3  }
0x60: {  	v28 =	vld [tilespmem:$0x4C0]  }
0x61: {  	[tilespmem:$0x8A0] =	vst v0  }
0x62: {  	v0 =	vld.idx.msk [tilespmem:v27+s2+$0x0], $0xffff;
	_ =	sdelay $0x3  }
0x63: {  	v29 =	vld [tilespmem:$0x4D0]  }
0x64: {  	[tilespmem:$0x8B0] =	vst v0  }
0x65: {  	v0 =	vld.idx.msk [tilespmem:v28+s2+$0x0], $0xffff;
	_ =	sdelay $0x3  }
0x66: {  	v30 =	vld [tilespmem:$0x4E0]  }
0x67: {  	[tilespmem:$0x8C0] =	vst v0  }
0x68: {  	v0 =	vld.idx.msk [tilespmem:v29+s2+$0x0], $0xffff;
	_ =	sdelay $0x3  }
0x69: {  	v31 =	vld [tilespmem:$0x4F0]  }
0x6a: {  	[tilespmem:$0x8D0] =	vst v0  }
0x6b: {  	v0 =	vld.idx.msk [tilespmem:v30+s2+$0x0], $0xffff;
	_ =	sdelay $0x3  }
0x6c: {  	v32 =	vld [tilespmem:$0x500]  }
0x6d: {  	[tilespmem:$0x8E0] =	vst v0  }
0x6e: {  	v0 =	vld.idx.msk [tilespmem:v31+s2+$0x0], $0xffff;
	_ =	sdelay $0x3  }
0x6f: {  	v33 =	vld [tilespmem:$0x510]  }
0x70: {  	[tilespmem:$0x8F0] =	vst v0  }
0x71: {  	v0 =	vld.idx.msk [tilespmem:v32+s2+$0x0], $0xffff;
	_ =	sdelay $0x3  }
0x72: {  	v34 =	vld [tilespmem:$0x520]  }
0x73: {  	[tilespmem:$0x900] =	vst v0  }
0x74: {  	v0 =	vld.idx.msk [tilespmem:v33+s2+$0x0], $0xffff;
	_ =	sdelay $0x3  }
0x75: {  	v35 =	vld [tilespmem:$0x530]  }
0x76: {  	[tilespmem:$0x910] =	vst v0  }
0x77: {  	v0 =	vld.idx.msk [tilespmem:v34+s2+$0x0], $0xffff;
	_ =	sdelay $0x3  }
0x78: {  	v36 =	vld [tilespmem:$0x540]  }
0x79: {  	[tilespmem:$0x920] =	vst v0  }
0x7a: {  	v0 =	vld.idx.msk [tilespmem:v35+s2+$0x0], $0xffff;
	_ =	sdelay $0x3  }
0x7b: {  	v37 =	vld [tilespmem:$0x550]  }
0x7c: {  	[tilespmem:$0x930] =	vst v0  }
0x7d: {  	v0 =	vld.idx.msk [tilespmem:v36+s2+$0x0], $0xffff;
	_ =	sdelay $0x3  }
0x7e: {  	v38 =	vld [tilespmem:$0x560]  }
0x7f: {  	[tilespmem:$0x940] =	vst v0  }
0x80: {  	v0 =	vld.idx.msk [tilespmem:v37+s2+$0x0], $0xffff;
	_ =	sdelay $0x3  }
0x81: {  	v39 =	vld [tilespmem:$0x570]  }
0x82: {  	[tilespmem:$0x950] =	vst v0  }
0x83: {  	v0 =	vld.idx.msk [tilespmem:v38+s2+$0x0], $0xffff;
	_ =	sdelay $0x3  }
0x84: {  	v40 =	vld [tilespmem:$0x580]  }
0x85: {  	[tilespmem:$0x960] =	vst v0  }
0x86: {  	v0 =	vld.idx.msk [tilespmem:v39+s2+$0x0], $0xffff;
	_ =	sdelay $0x3  }
0x87: {  	v41 =	vld [tilespmem:$0x590]  }
0x88: {  	[tilespmem:$0x970] =	vst v0  }
0x89: {  	v0 =	vld.idx.msk [tilespmem:v40+s2+$0x0], $0xffff;
	_ =	sdelay $0x3  }
0x8a: {  	v42 =	vld [tilespmem:$0x5A0]  }
0x8b: {  	[tilespmem:$0x980] =	vst v0  }
0x8c: {  	v0 =	vld.idx.msk [tilespmem:v41+s2+$0x0], $0xffff;
	_ =	sdelay $0x3  }
0x8d: {  	v43 =	vld [tilespmem:$0x5B0]  }
0x8e: {  	[tilespmem:$0x990] =	vst v0  }
0x8f: {  	v0 =	vld.idx.msk [tilespmem:v42+s2+$0x0], $0xffff;
	_ =	sdelay $0x3  }
0x90: {  	v44 =	vld [tilespmem:$0x5C0]  }
0x91: {  	[tilespmem:$0x9A0] =	vst v0  }
0x92: {  	v0 =	vld.idx.msk [tilespmem:v43+s2+$0x0], $0xffff;
	_ =	sdelay $0x3  }
0x93: {  	v45 =	vld [tilespmem:$0x5D0]  }
0x94: {  	[tilespmem:$0x9B0] =	vst v0  }
0x95: {  	v0 =	vld.idx.msk [tilespmem:v44+s2+$0x0], $0xffff;
	_ =	sdelay $0x3  }
0x96: {  	v46 =	vld [tilespmem:$0x5E0]  }
0x97: {  	[tilespmem:$0x9C0] =	vst v0  }
0x98: {  	v0 =	vld.idx.msk [tilespmem:v45+s2+$0x0], $0xffff;
	_ =	sdelay $0x3  }
0x99: {  	v47 =	vld [tilespmem:$0x5F0]  }
0x9a: {  	[tilespmem:$0x9D0] =	vst v0  }
0x9b: {  	v0 =	vld.idx.msk [tilespmem:v46+s2+$0x0], $0xffff;
	_ =	sdelay $0x3  }
0x9c: {  	v48 =	vld [tilespmem:$0x600]  }
0x9d: {  	[tilespmem:$0x9E0] =	vst v0  }
0x9e: {  	v0 =	vld.idx.msk [tilespmem:v47+s2+$0x0], $0xffff;
	_ =	sdelay $0x3  }
0x9f: {  	v49 =	vld [tilespmem:$0x610]  }
0xa0: {  	[tilespmem:$0x9F0] =	vst v0  }
0xa1: {  	v0 =	vld.idx.msk [tilespmem:v48+s2+$0x0], $0xffff;
	_ =	sdelay $0x3  }
0xa2: {  	v50 =	vld [tilespmem:$0x620]  }
0xa3: {  	[tilespmem:$0xA00] =	vst v0  }
0xa4: {  	v0 =	vld.idx.msk [tilespmem:v49+s2+$0x0], $0xffff;
	_ =	sdelay $0x3  }
0xa5: {  	v51 =	vld [tilespmem:$0x630]  }
0xa6: {  	[tilespmem:$0xA10] =	vst v0  }
0xa7: {  	v0 =	vld.idx.msk [tilespmem:v50+s2+$0x0], $0xffff;
	_ =	sdelay $0x3  }
0xa8: {  	v52 =	vld [tilespmem:$0x640]  }
0xa9: {  	[tilespmem:$0xA20] =	vst v0  }
0xaa: {  	v0 =	vld.idx.msk [tilespmem:v51+s2+$0x0], $0xffff;
	_ =	sdelay $0x3  }
0xab: {  	v53 =	vld [tilespmem:$0x650]  }
0xac: {  	[tilespmem:$0xA30] =	vst v0  }
0xad: {  	v0 =	vld.idx.msk [tilespmem:v52+s2+$0x0], $0xffff;
	_ =	sdelay $0x3  }
0xae: {  	v54 =	vld [tilespmem:$0x660]  }
0xaf: {  	[tilespmem:$0xA40] =	vst v0  }
0xb0: {  	v0 =	vld.idx.msk [tilespmem:v53+s2+$0x0], $0xffff;
	_ =	sdelay $0x3  }
0xb1: {  	v55 =	vld [tilespmem:$0x670]  }
0xb2: {  	[tilespmem:$0xA50] =	vst v0  }
0xb3: {  	v0 =	vld.idx.msk [tilespmem:v54+s2+$0x0], $0xffff;
	_ =	sdelay $0x3  }
0xb4: {  	v56 =	vld [tilespmem:$0x680]  }
0xb5: {  	[tilespmem:$0xA60] =	vst v0  }
0xb6: {  	v0 =	vld.idx.msk [tilespmem:v55+s2+$0x0], $0xffff;
	_ =	sdelay $0x3  }
0xb7: {  	v57 =	vld [tilespmem:$0x690]  }
0xb8: {  	[tilespmem:$0xA70] =	vst v0  }
0xb9: {  	v0 =	vld.idx.msk [tilespmem:v56+s2+$0x0], $0xffff;
	_ =	sdelay $0x3  }
0xba: {  	v58 =	vld [tilespmem:$0x6A0]  }
0xbb: {  	[tilespmem:$0xA80] =	vst v0  }
0xbc: {  	v0 =	vld.idx.msk [tilespmem:v57+s2+$0x0], $0xffff;
	_ =	sdelay $0x3  }
0xbd: {  	v59 =	vld [tilespmem:$0x6B0]  }
0xbe: {  	[tilespmem:$0xA90] =	vst v0  }
0xbf: {  	v0 =	vld.idx.msk [tilespmem:v58+s2+$0x0], $0xffff;
	_ =	sdelay $0x3  }
0xc0: {  	v60 =	vld [tilespmem:$0x6C0]  }
0xc1: {  	[tilespmem:$0xAA0] =	vst v0  }
0xc2: {  	v0 =	vld.idx.msk [tilespmem:v59+s2+$0x0], $0xffff;
	_ =	sdelay $0x3  }
0xc3: {  	v61 =	vld [tilespmem:$0x6D0]  }
0xc4: {  	[tilespmem:$0xAB0] =	vst v0  }
0xc5: {  	v0 =	vld.idx.msk [tilespmem:v60+s2+$0x0], $0xffff;
	_ =	sdelay $0x3  }
0xc6: {  	v62 =	vld [tilespmem:$0x6E0]  }
0xc7: {  	[tilespmem:$0xAC0] =	vst v0  }
0xc8: {  	v0 =	vld.idx.msk [tilespmem:v61+s2+$0x0], $0xffff;
	_ =	sdelay $0x3  }
0xc9: {  	v63 =	vld [tilespmem:$0x6F0]  }
0xca: {  	[tilespmem:$0xAD0] =	vst v0  }
0xcb: {  	v0 =	vld.idx.msk [tilespmem:v62+s2+$0x0], $0xffff;
	_ =	sdelay $0x4  }
0xcc: {  	[tilespmem:$0xAE0] =	vst v0  }
0xcd: {  	v0 =	vld.idx.msk [tilespmem:v63+s2+$0x0], $0xffff;
	_ =	sdelay $0x4  }
0xce: {  	s30 =	simm.s32 $0x700;
	s31 =	simm.s32 $0x3;
	s3 =	sadd.s32 s3, s4;
	[tilespmem:$0xAF0] =	vst v0  }
0xcf: {  	[hbm4b:s3+s2] =	stream.linear.scatter [tilespmem:s30], [sflag:$0x3], $0x400, $0x38;
	[tilespmem:$0xB00] =	vst v63  }
0xd0: {  	_ =	swait.ge [sflag:s31], $0x400  }
0xd1: {  	[sflag:s31] =	ssyncset.done $0x0  }
0xd2: {  	[sflag:s31] =	ssyncadd.s32 $0xFFFFFC00  }
0xd3: {  	_ =	sfence.sel $0x180000  }
0xd4: {  	[bflag:$0x0] =	sbarrier.arrive $0xFFFF  }
0xd5: {  	p0 =	sne.s32 s1, $0x0;
	_ =	strace $0x90000047  }
0xd6: {  	s0 =	sadd.s32 @!p0 $0x100000, s0;
	[bflag:$0x2] =	sbarrier.arrive $0xFFFF  }
0xd7: {  	[sflag:s0] =	ssyncadd.tile.s32 @!p0 $0x1;
	_ =	shalt  }
.Lfunc_end2:
_tile_overlayer_lowered:
.L_overlay_start_2:
0xd8: {  	(tag) =	ssettag $0x2  }
0xd9: {  	s0 =	rddreg [dreg:$0x0];
	s2 =	stileid.u32  }
0xda: {  	s1 =	rddreg [dreg:$0x1];
	p0 =	sne.s32 s2, $0x0  }
0xdb: {  	s3 =	rddreg [dreg:$0x2];
	[bflag:$0x3] =	sbarrier.arrive $0xFFFF;
	s2 =	simm.s32 @!p0 $0x1C03  }
0xdc: {  	[timem:s3], [sflag:s2] =	dma.local @!p0 [hbm:s0], s1  }
0xdd: {  	s0 =	simm.s32 @!p0 $0x3  }
0xde: {  	_ =	swait.ge @!p0 [sflag:s0], s1  }
0xdf: {  	s1 =	ssub.s32 @!p0 $0x0, s1;
	[sflag:s0] =	ssyncset.done @!p0 $0x0  }
0xe0: {  	[sflag:s0] =	ssyncadd.s32 @!p0 s1  }
0xe1: {  	[bflag:$0x3] =	sbarrier.arrive $0xFFFF  }
0xe2: {  	_ =	shalt  }

</sc_bundles>
